<compile_context>
chip_gen: v7x
topology: tpu7x:2x2x1
jax: 0.10.2.dev20260603
libtpu: 0.0.44.dev20260713+nightly
codegen_flags: <defaults>
</compile_context>

<pallas_src>
import functools

import jax
import jax.numpy as jnp
from jax import lax
from jax.experimental import pallas as pl
from jax.experimental.pallas import tpu as pltpu
from jax.experimental.pallas import tpu_sc as plsc

_VOCAB = 100000
_DIM = 64
_B = 1024 * 20 * 26
_NC, _NS, _L = 2, 16, 16
_NW = _NC * _NS
_BPW = _B // _NW
_G = 128
_NG = _BPW // _G
_CPF = 5
_R = _CPF * _G
_NF = _NG // _CPF


def _emb_kernel(idx_hbm, table_hbm, out_hbm, idx_v, buf0, buf1,
                gsem0, gsem1, wsem0, wsem1):
    wid = lax.axis_index("s") * _NC + lax.axis_index("c")
    row0 = wid * _NG

    pltpu.sync_copy(idx_hbm.at[wid], idx_v)

    zrow = jnp.full((_L,), _VOCAB, jnp.int32)

    def remap(j, carry):
        for c in range(_G // _L):
            v = idx_v[j, pl.ds(c * _L, _L)]
            idx_v[j, pl.ds(c * _L, _L)] = jnp.where(v > 0, v, zrow)
        return carry

    lax.fori_loop(0, _NG, remap, 0)

    bufs = (buf0, buf1)
    gsems = (gsem0, gsem1)
    wsems = (wsem0, wsem1)

    def gather_fill(f, b):
        for c in range(_CPF):
            pltpu.async_copy(
                table_hbm.at[idx_v.at[f * _CPF + c]],
                bufs[b].at[pl.ds(c * _G, _G)],
                gsems[b],
            )

    def drain_fill(b):
        for c in range(_CPF):
            pltpu.make_async_copy(
                table_hbm.at[idx_v.at[c]], bufs[b].at[pl.ds(0, _G)], gsems[b]
            ).wait()

    def write_start(f, b):
        pltpu.async_copy(
            bufs[b], out_hbm.at[pl.ds((row0 + f * _CPF) * _G, _R)], wsems[b]
        )

    def write_wait(f, b):
        pltpu.make_async_copy(
            bufs[b], out_hbm.at[pl.ds((row0 + f * _CPF) * _G, _R)], wsems[b]
        ).wait()

    gather_fill(0, 0)
    gather_fill(1, 1)

    def step(i, carry):
        for b in range(2):
            f = i * 2 + b
            drain_fill(b)
            write_start(f, b)
            write_wait(f, b)
            gather_fill(f + 2, b)
        return carry

    lax.fori_loop(0, (_NF - 2) // 2, step, 0)

    for b in range(2):
        f = _NF - 2 + b
        drain_fill(b)
        write_start(f, b)
        write_wait(f, b)


@jax.jit
def _emb(idx2d, table_padded):
    mesh = plsc.VectorSubcoreMesh(core_axis_name="c", subcore_axis_name="s")
    k = functools.partial(
        pl.kernel,
        mesh=mesh,
        out_type=jax.ShapeDtypeStruct((_B, _DIM), jnp.float32),
        scratch_types=[
            pltpu.VMEM((_NG, _G), jnp.int32),
            pltpu.VMEM((_R, _DIM), jnp.float32),
            pltpu.VMEM((_R, _DIM), jnp.float32),
            pltpu.SemaphoreType.DMA,
            pltpu.SemaphoreType.DMA,
            pltpu.SemaphoreType.DMA,
            pltpu.SemaphoreType.DMA,
        ],
        compiler_params=pltpu.CompilerParams(use_tc_tiling_on_sc=False),
    )(_emb_kernel)
    return k(idx2d, table_padded)


def kernel(x, table):
    table_padded = jnp.concatenate(
        [table, jnp.zeros((8, _DIM), table.dtype)], axis=0
    )
    idx2d = x.reshape(_NW, _NG, _G)
    out = _emb(idx2d, table_padded)
    return out.reshape(*x.shape, _DIM)

# --- scband reference (transcript-rebuilt; emitter-appended) ---
"""Pipeline reference for scband-masked-embedding-72636486910211 (READ-ONLY COPY).

The authoritative reference and input builder live on the scoring server;
editing this copy changes nothing except your own understanding.
"""

import jax, jax.numpy as jnp
import numpy as np

VOCAB = 100000
DIM = 64

def setup_inputs(seed: int = 0) -> dict:
    key = jax.random.key(seed)
    k1, k2 = jax.random.split(key)
    x = jax.random.randint(k1, (1024, 20, 26), 0, VOCAB, dtype=jnp.int32)
    # Embedding table parameter (keras Embedding default is uniform init; scale is irrelevant for correctness)
    table = jax.random.uniform(k2, (VOCAB, DIM), dtype=jnp.float32, minval=-0.05, maxval=0.05)
    return {"x": x, "table": table}

def reference(x, table):
    # mask = expand_dims(x > 0, axis=3)
    mask = (x > 0)[..., None].astype(jnp.float32)  # [B, L, F, 1]
    emb = jnp.take(table, x, axis=0)               # [B, L, F, DIM] gather
    return emb * mask

if __name__ == "__main__":
    import jax
    _d = setup_inputs()
    print(jax.jit(kernel)(*tuple(_d.values())))

</pallas_src>

<mosaic_0001>
#map = affine_map<(d0, d1) -> (0, 0, 0)>
#map1 = affine_map<(d0, d1) -> (0, 0)>
module attributes {stable_mosaic.version = 14 : i64} {
  func.func @_emb_kernel(%arg0: i32, %arg1: i32, %arg2: memref<32x130x128xi32, #tpu.memory_space<hbm>>, %arg3: memref<100008x64xf32, #tpu.memory_space<hbm>>, %arg4: memref<532480x64xf32, #tpu.memory_space<hbm>>, %arg5: memref<130x128xi32, #tpu.memory_space<vmem>>, %arg6: memref<640x64xf32, #tpu.memory_space<vmem>>, %arg7: memref<640x64xf32, #tpu.memory_space<vmem>>, %arg8: memref<!tpu.dma_semaphore, #tpu.memory_space<semaphore_mem>>, %arg9: memref<!tpu.dma_semaphore, #tpu.memory_space<semaphore_mem>>, %arg10: memref<!tpu.dma_semaphore, #tpu.memory_space<semaphore_mem>>, %arg11: memref<!tpu.dma_semaphore, #tpu.memory_space<semaphore_mem>>) attributes {dimension_semantics = [#tpu.dimension_semantics<core_parallel>, #tpu.dimension_semantics<subcore_parallel>], iteration_bounds = array<i64: 2, 16>, scalar_prefetch = 0 : i64, scratch_operands = 7 : i64, tpu.core_type = #tpu.core_type<sc_vector_subcore>, window_params = [{transform_indices = #map}, {transform_indices = #map1}, {transform_indices = #map1}]} {
    %mul3A = arith.constant 2 : i32
    %mul3A_0 = arith.muli %arg1, %mul3A : i32
    %add3A = arith.addi %mul3A_0, %arg0 : i32
    %mul3A_1 = arith.constant 130 : i32
    %mul3A_2 = arith.muli %add3A, %mul3A_1 : i32
    "tpu.region"() ({
      %run_scoped3A = tpu.sem_alloc : memref<!tpu.dma_semaphore, #tpu.memory_space<semaphore_mem>>
      %dma_start3A_245 = arith.constant 0 : i32
      %dma_start3A_246 = arith.constant 0 : i32
      %dma_start3A_247 = tpu.memref_slice %arg2[%add3A, %dma_start3A_245, %dma_start3A_246] : memref<32x130x128xi32, #tpu.memory_space<hbm>> -> memref<1x130x128xi32, #tpu.memory_space<hbm>>
      %dma_start3A_248 = tpu.memref_squeeze %dma_start3A_247 : memref<1x130x128xi32, #tpu.memory_space<hbm>> -> memref<130x128xi32, #tpu.memory_space<hbm>>
      %dma_start3A_249 = arith.constant 0 : i32
      %dma_start3A_250 = arith.constant 0 : i32
      %dma_start3A_251 = tpu.memref_slice %arg2[%add3A, %dma_start3A_249, %dma_start3A_250] : memref<32x130x128xi32, #tpu.memory_space<hbm>> -> memref<1x130x128xi32, #tpu.memory_space<hbm>>
      %dma_start3A_252 = tpu.memref_squeeze %dma_start3A_251 : memref<1x130x128xi32, #tpu.memory_space<hbm>> -> memref<130x128xi32, #tpu.memory_space<hbm>>
      tpu.enqueue_dma source(%dma_start3A_252 : memref<130x128xi32, #tpu.memory_space<hbm>>) target(%arg5 : memref<130x128xi32, #tpu.memory_space<vmem>>) target_semaphore(%run_scoped3A : memref<!tpu.dma_semaphore, #tpu.memory_space<semaphore_mem>>)
      %dma_wait3A_253 = arith.constant 0 : i32
      %dma_wait3A_254 = arith.constant 0 : i32
      %dma_wait3A_255 = tpu.memref_slice %arg2[%add3A, %dma_wait3A_253, %dma_wait3A_254] : memref<32x130x128xi32, #tpu.memory_space<hbm>> -> memref<1x130x128xi32, #tpu.memory_space<hbm>>
      %dma_wait3A_256 = tpu.memref_squeeze %dma_wait3A_255 : memref<1x130x128xi32, #tpu.memory_space<hbm>> -> memref<130x128xi32, #tpu.memory_space<hbm>>
      %dma_wait3A_257 = arith.constant 0 : i32
      %dma_wait3A_258 = arith.constant 0 : i32
      %dma_wait3A_259 = tpu.memref_slice %arg2[%add3A, %dma_wait3A_257, %dma_wait3A_258] : memref<32x130x128xi32, #tpu.memory_space<hbm>> -> memref<1x130x128xi32, #tpu.memory_space<hbm>>
      %dma_wait3A_260 = tpu.memref_squeeze %dma_wait3A_259 : memref<1x130x128xi32, #tpu.memory_space<hbm>> -> memref<130x128xi32, #tpu.memory_space<hbm>>
      tpu.wait_dma2 semaphore(%run_scoped3A : memref<!tpu.dma_semaphore, #tpu.memory_space<semaphore_mem>>) src(%dma_wait3A_260 : memref<130x128xi32, #tpu.memory_space<hbm>>) dst(%arg5 : memref<130x128xi32, #tpu.memory_space<vmem>>)
      tpu.yield
    }) : () -> ()
    %broadcast_in_dim3A = arith.constant 100000 : i32
    %broadcast_in_dim3A_3 = vector.broadcast %broadcast_in_dim3A : i32 to vector<16xi32>
    %scan3A = arith.constant 0 : i32
    %scan3A_4 = arith.constant 0 : i32
    %scan3A_5 = arith.constant 130 : i32
    %scan3A_6 = arith.addi %scan3A_4, %scan3A_5 : i32
    %scan3A_7 = arith.constant 1 : i32
    scf.for %scan3A_245 = %scan3A_4 to %scan3A_6 step %scan3A_7  : i32 {
      %get3A = arith.index_cast %scan3A_245 : i32 to index
      %get3A_246 = arith.constant 0 : index
      %get3A_247 = tpu.vector_load %arg5[%get3A, %get3A_246] {strides = array<i32>} : memref<130x128xi32, #tpu.memory_space<vmem>>, vector<1x16xi32>,
      %get3A_248 = vector.shape_cast %get3A_247 : vector<1x16xi32> to vector<16xi32>
      %gt3A = arith.constant 0 : i32
      %gt3A_249 = vector.broadcast %gt3A : i32 to vector<16xi32>
      %gt3A_250 = arith.cmpi sgt, %get3A_248, %gt3A_249 : vector<16xi32>
      %select_n3A = arith.select %gt3A_250, %get3A_248, %broadcast_in_dim3A_3 : vector<16xi1>, vector<16xi32>
      %swap3A = arith.index_cast %scan3A_245 : i32 to index
      %swap3A_251 = arith.constant 0 : index
      %swap3A_252 = tpu.vector_load %arg5[%swap3A, %swap3A_251] {strides = array<i32>} : memref<130x128xi32, #tpu.memory_space<vmem>>, vector<1x16xi32>,
      %swap3A_253 = vector.shape_cast %swap3A_252 : vector<1x16xi32> to vector<16xi32>
      %swap3A_254 = vector.shape_cast %select_n3A : vector<16xi32> to vector<1x16xi32>
      tpu.vector_store %arg5[%swap3A, %swap3A_251], %swap3A_254 {strides = array<i32>} : memref<130x128xi32, #tpu.memory_space<vmem>>, vector<1x16xi32>,
      %get3A_255 = arith.index_cast %scan3A_245 : i32 to index
      %get3A_256 = arith.constant 16 : index
      %get3A_257 = tpu.vector_load %arg5[%get3A_255, %get3A_256] {strides = array<i32>} : memref<130x128xi32, #tpu.memory_space<vmem>>, vector<1x16xi32>,
      %get3A_258 = vector.shape_cast %get3A_257 : vector<1x16xi32> to vector<16xi32>
      %gt3A_259 = arith.constant 0 : i32
      %gt3A_260 = vector.broadcast %gt3A_259 : i32 to vector<16xi32>
      %gt3A_261 = arith.cmpi sgt, %get3A_258, %gt3A_260 : vector<16xi32>
      %select_n3A_262 = arith.select %gt3A_261, %get3A_258, %broadcast_in_dim3A_3 : vector<16xi1>, vector<16xi32>
      %swap3A_263 = arith.index_cast %scan3A_245 : i32 to index
      %swap3A_264 = arith.constant 16 : index
      %swap3A_265 = tpu.vector_load %arg5[%swap3A_263, %swap3A_264] {strides = array<i32>} : memref<130x128xi32, #tpu.memory_space<vmem>>, vector<1x16xi32>,
      %swap3A_266 = vector.shape_cast %swap3A_265 : vector<1x16xi32> to vector<16xi32>
      %swap3A_267 = vector.shape_cast %select_n3A_262 : vector<16xi32> to vector<1x16xi32>
      tpu.vector_store %arg5[%swap3A_263, %swap3A_264], %swap3A_267 {strides = array<i32>} : memref<130x128xi32, #tpu.memory_space<vmem>>, vector<1x16xi32>,
      %get3A_268 = arith.index_cast %scan3A_245 : i32 to index
      %get3A_269 = arith.constant 32 : index
      %get3A_270 = tpu.vector_load %arg5[%get3A_268, %get3A_269] {strides = array<i32>} : memref<130x128xi32, #tpu.memory_space<vmem>>, vector<1x16xi32>,
      %get3A_271 = vector.shape_cast %get3A_270 : vector<1x16xi32> to vector<16xi32>
      %gt3A_272 = arith.constant 0 : i32
      %gt3A_273 = vector.broadcast %gt3A_272 : i32 to vector<16xi32>
      %gt3A_274 = arith.cmpi sgt, %get3A_271, %gt3A_273 : vector<16xi32>
      %select_n3A_275 = arith.select %gt3A_274, %get3A_271, %broadcast_in_dim3A_3 : vector<16xi1>, vector<16xi32>
      %swap3A_276 = arith.index_cast %scan3A_245 : i32 to index
      %swap3A_277 = arith.constant 32 : index
      %swap3A_278 = tpu.vector_load %arg5[%swap3A_276, %swap3A_277] {strides = array<i32>} : memref<130x128xi32, #tpu.memory_space<vmem>>, vector<1x16xi32>,
      %swap3A_279 = vector.shape_cast %swap3A_278 : vector<1x16xi32> to vector<16xi32>
      %swap3A_280 = vector.shape_cast %select_n3A_275 : vector<16xi32> to vector<1x16xi32>
      tpu.vector_store %arg5[%swap3A_276, %swap3A_277], %swap3A_280 {strides = array<i32>} : memref<130x128xi32, #tpu.memory_space<vmem>>, vector<1x16xi32>,
      %get3A_281 = arith.index_cast %scan3A_245 : i32 to index
      %get3A_282 = arith.constant 48 : index
      %get3A_283 = tpu.vector_load %arg5[%get3A_281, %get3A_282] {strides = array<i32>} : memref<130x128xi32, #tpu.memory_space<vmem>>, vector<1x16xi32>,
      %get3A_284 = vector.shape_cast %get3A_283 : vector<1x16xi32> to vector<16xi32>
      %gt3A_285 = arith.constant 0 : i32
      %gt3A_286 = vector.broadcast %gt3A_285 : i32 to vector<16xi32>
      %gt3A_287 = arith.cmpi sgt, %get3A_284, %gt3A_286 : vector<16xi32>
      %select_n3A_288 = arith.select %gt3A_287, %get3A_284, %broadcast_in_dim3A_3 : vector<16xi1>, vector<16xi32>
      %swap3A_289 = arith.index_cast %scan3A_245 : i32 to index
      %swap3A_290 = arith.constant 48 : index
      %swap3A_291 = tpu.vector_load %arg5[%swap3A_289, %swap3A_290] {strides = array<i32>} : memref<130x128xi32, #tpu.memory_space<vmem>>, vector<1x16xi32>,
      %swap3A_292 = vector.shape_cast %swap3A_291 : vector<1x16xi32> to vector<16xi32>
      %swap3A_293 = vector.shape_cast %select_n3A_288 : vector<16xi32> to vector<1x16xi32>
      tpu.vector_store %arg5[%swap3A_289, %swap3A_290], %swap3A_293 {strides = array<i32>} : memref<130x128xi32, #tpu.memory_space<vmem>>, vector<1x16xi32>,
      %get3A_294 = arith.index_cast %scan3A_245 : i32 to index
      %get3A_295 = arith.constant 64 : index
      %get3A_296 = tpu.vector_load %arg5[%get3A_294, %get3A_295] {strides = array<i32>} : memref<130x128xi32, #tpu.memory_space<vmem>>, vector<1x16xi32>,
      %get3A_297 = vector.shape_cast %get3A_296 : vector<1x16xi32> to vector<16xi32>
      %gt3A_298 = arith.constant 0 : i32
      %gt3A_299 = vector.broadcast %gt3A_298 : i32 to vector<16xi32>
      %gt3A_300 = arith.cmpi sgt, %get3A_297, %gt3A_299 : vector<16xi32>
      %select_n3A_301 = arith.select %gt3A_300, %get3A_297, %broadcast_in_dim3A_3 : vector<16xi1>, vector<16xi32>
      %swap3A_302 = arith.index_cast %scan3A_245 : i32 to index
      %swap3A_303 = arith.constant 64 : index
      %swap3A_304 = tpu.vector_load %arg5[%swap3A_302, %swap3A_303] {strides = array<i32>} : memref<130x128xi32, #tpu.memory_space<vmem>>, vector<1x16xi32>,
      %swap3A_305 = vector.shape_cast %swap3A_304 : vector<1x16xi32> to vector<16xi32>
      %swap3A_306 = vector.shape_cast %select_n3A_301 : vector<16xi32> to vector<1x16xi32>
      tpu.vector_store %arg5[%swap3A_302, %swap3A_303], %swap3A_306 {strides = array<i32>} : memref<130x128xi32, #tpu.memory_space<vmem>>, vector<1x16xi32>,
      %get3A_307 = arith.index_cast %scan3A_245 : i32 to index
      %get3A_308 = arith.constant 80 : index
      %get3A_309 = tpu.vector_load %arg5[%get3A_307, %get3A_308] {strides = array<i32>} : memref<130x128xi32, #tpu.memory_space<vmem>>, vector<1x16xi32>,
      %get3A_310 = vector.shape_cast %get3A_309 : vector<1x16xi32> to vector<16xi32>
      %gt3A_311 = arith.constant 0 : i32
      %gt3A_312 = vector.broadcast %gt3A_311 : i32 to vector<16xi32>
      %gt3A_313 = arith.cmpi sgt, %get3A_310, %gt3A_312 : vector<16xi32>
      %select_n3A_314 = arith.select %gt3A_313, %get3A_310, %broadcast_in_dim3A_3 : vector<16xi1>, vector<16xi32>
      %swap3A_315 = arith.index_cast %scan3A_245 : i32 to index
      %swap3A_316 = arith.constant 80 : index
      %swap3A_317 = tpu.vector_load %arg5[%swap3A_315, %swap3A_316] {strides = array<i32>} : memref<130x128xi32, #tpu.memory_space<vmem>>, vector<1x16xi32>,
      %swap3A_318 = vector.shape_cast %swap3A_317 : vector<1x16xi32> to vector<16xi32>
      %swap3A_319 = vector.shape_cast %select_n3A_314 : vector<16xi32> to vector<1x16xi32>
      tpu.vector_store %arg5[%swap3A_315, %swap3A_316], %swap3A_319 {strides = array<i32>} : memref<130x128xi32, #tpu.memory_space<vmem>>, vector<1x16xi32>,
      %get3A_320 = arith.index_cast %scan3A_245 : i32 to index
      %get3A_321 = arith.constant 96 : index
      %get3A_322 = tpu.vector_load %arg5[%get3A_320, %get3A_321] {strides = array<i32>} : memref<130x128xi32, #tpu.memory_space<vmem>>, vector<1x16xi32>,
      %get3A_323 = vector.shape_cast %get3A_322 : vector<1x16xi32> to vector<16xi32>
      %gt3A_324 = arith.constant 0 : i32
      %gt3A_325 = vector.broadcast %gt3A_324 : i32 to vector<16xi32>
      %gt3A_326 = arith.cmpi sgt, %get3A_323, %gt3A_325 : vector<16xi32>
      %select_n3A_327 = arith.select %gt3A_326, %get3A_323, %broadcast_in_dim3A_3 : vector<16xi1>, vector<16xi32>
      %swap3A_328 = arith.index_cast %scan3A_245 : i32 to index
      %swap3A_329 = arith.constant 96 : index
      %swap3A_330 = tpu.vector_load %arg5[%swap3A_328, %swap3A_329] {strides = array<i32>} : memref<130x128xi32, #tpu.memory_space<vmem>>, vector<1x16xi32>,
      %swap3A_331 = vector.shape_cast %swap3A_330 : vector<1x16xi32> to vector<16xi32>
      %swap3A_332 = vector.shape_cast %select_n3A_327 : vector<16xi32> to vector<1x16xi32>
      tpu.vector_store %arg5[%swap3A_328, %swap3A_329], %swap3A_332 {strides = array<i32>} : memref<130x128xi32, #tpu.memory_space<vmem>>, vector<1x16xi32>,
      %get3A_333 = arith.index_cast %scan3A_245 : i32 to index
      %get3A_334 = arith.constant 112 : index
      %get3A_335 = tpu.vector_load %arg5[%get3A_333, %get3A_334] {strides = array<i32>} : memref<130x128xi32, #tpu.memory_space<vmem>>, vector<1x16xi32>,
      %get3A_336 = vector.shape_cast %get3A_335 : vector<1x16xi32> to vector<16xi32>
      %gt3A_337 = arith.constant 0 : i32
      %gt3A_338 = vector.broadcast %gt3A_337 : i32 to vector<16xi32>
      %gt3A_339 = arith.cmpi sgt, %get3A_336, %gt3A_338 : vector<16xi32>
      %select_n3A_340 = arith.select %gt3A_339, %get3A_336, %broadcast_in_dim3A_3 : vector<16xi1>, vector<16xi32>
      %swap3A_341 = arith.index_cast %scan3A_245 : i32 to index
      %swap3A_342 = arith.constant 112 : index
      %swap3A_343 = tpu.vector_load %arg5[%swap3A_341, %swap3A_342] {strides = array<i32>} : memref<130x128xi32, #tpu.memory_space<vmem>>, vector<1x16xi32>,
      %swap3A_344 = vector.shape_cast %swap3A_343 : vector<1x16xi32> to vector<16xi32>
      %swap3A_345 = vector.shape_cast %select_n3A_340 : vector<16xi32> to vector<1x16xi32>
      tpu.vector_store %arg5[%swap3A_341, %swap3A_342], %swap3A_345 {strides = array<i32>} : memref<130x128xi32, #tpu.memory_space<vmem>>, vector<1x16xi32>,
    }
    %scan3A_8 = arith.constant 130 : i32
    %dma_start3A = arith.constant 0 : i32
    %dma_start3A_9 = arith.constant 0 : i32
    %dma_start3A_10 = arith.constant 0 : i32
    %dma_start3A_11 = tpu.memref_slice %arg6[%dma_start3A_9, %dma_start3A_10] : memref<640x64xf32, #tpu.memory_space<vmem>> -> memref<128x64xf32, #tpu.memory_space<vmem>>
    %dma_start3A_12 = arith.constant 0 : i32
    %dma_start3A_13 = tpu.memref_slice %arg5[%dma_start3A, %dma_start3A_12] : memref<130x128xi32, #tpu.memory_space<vmem>> -> memref<1x128xi32, #tpu.memory_space<vmem>>
    %dma_start3A_14 = tpu.memref_squeeze %dma_start3A_13 : memref<1x128xi32, #tpu.memory_space<vmem>> -> memref<128xi32, #tpu.memory_space<vmem>>
    %dma_start3A_15 = arith.constant 0 : i32
    %dma_start3A_16 = arith.constant 0 : i32
    %dma_start3A_17 = tpu.memref_slice %arg3[%dma_start3A_15, %dma_start3A_16] : memref<100008x64xf32, #tpu.memory_space<hbm>> -> memref<100008x64xf32, #tpu.memory_space<hbm>>
    tpu.enqueue_indirect_dma source(%dma_start3A_17 : memref<100008x64xf32, #tpu.memory_space<hbm>>) target(%dma_start3A_11 : memref<128x64xf32, #tpu.memory_space<vmem>>) offsets(%dma_start3A_14 : memref<128xi32, #tpu.memory_space<vmem>>) semaphore(%arg8 : memref<!tpu.dma_semaphore, #tpu.memory_space<semaphore_mem>>)
    %dma_start3A_18 = arith.constant 1 : i32
    %dma_start3A_19 = arith.constant 128 : i32
    %dma_start3A_20 = arith.constant 0 : i32
    %dma_start3A_21 = tpu.memref_slice %arg6[%dma_start3A_19, %dma_start3A_20] : memref<640x64xf32, #tpu.memory_space<vmem>> -> memref<128x64xf32, #tpu.memory_space<vmem>>
    %dma_start3A_22 = arith.constant 0 : i32
    %dma_start3A_23 = tpu.memref_slice %arg5[%dma_start3A_18, %dma_start3A_22] : memref<130x128xi32, #tpu.memory_space<vmem>> -> memref<1x128xi32, #tpu.memory_space<vmem>>
    %dma_start3A_24 = tpu.memref_squeeze %dma_start3A_23 : memref<1x128xi32, #tpu.memory_space<vmem>> -> memref<128xi32, #tpu.memory_space<vmem>>
    %dma_start3A_25 = arith.constant 0 : i32
    %dma_start3A_26 = arith.constant 0 : i32
    %dma_start3A_27 = tpu.memref_slice %arg3[%dma_start3A_25, %dma_start3A_26] : memref<100008x64xf32, #tpu.memory_space<hbm>> -> memref<100008x64xf32, #tpu.memory_space<hbm>>
    tpu.enqueue_indirect_dma source(%dma_start3A_27 : memref<100008x64xf32, #tpu.memory_space<hbm>>) target(%dma_start3A_21 : memref<128x64xf32, #tpu.memory_space<vmem>>) offsets(%dma_start3A_24 : memref<128xi32, #tpu.memory_space<vmem>>) semaphore(%arg8 : memref<!tpu.dma_semaphore, #tpu.memory_space<semaphore_mem>>)
    %dma_start3A_28 = arith.constant 2 : i32
    %dma_start3A_29 = arith.constant 256 : i32
    %dma_start3A_30 = arith.constant 0 : i32
    %dma_start3A_31 = tpu.memref_slice %arg6[%dma_start3A_29, %dma_start3A_30] : memref<640x64xf32, #tpu.memory_space<vmem>> -> memref<128x64xf32, #tpu.memory_space<vmem>>
    %dma_start3A_32 = arith.constant 0 : i32
    %dma_start3A_33 = tpu.memref_slice %arg5[%dma_start3A_28, %dma_start3A_32] : memref<130x128xi32, #tpu.memory_space<vmem>> -> memref<1x128xi32, #tpu.memory_space<vmem>>
    %dma_start3A_34 = tpu.memref_squeeze %dma_start3A_33 : memref<1x128xi32, #tpu.memory_space<vmem>> -> memref<128xi32, #tpu.memory_space<vmem>>
    %dma_start3A_35 = arith.constant 0 : i32
    %dma_start3A_36 = arith.constant 0 : i32
    %dma_start3A_37 = tpu.memref_slice %arg3[%dma_start3A_35, %dma_start3A_36] : memref<100008x64xf32, #tpu.memory_space<hbm>> -> memref<100008x64xf32, #tpu.memory_space<hbm>>
    tpu.enqueue_indirect_dma source(%dma_start3A_37 : memref<100008x64xf32, #tpu.memory_space<hbm>>) target(%dma_start3A_31 : memref<128x64xf32, #tpu.memory_space<vmem>>) offsets(%dma_start3A_34 : memref<128xi32, #tpu.memory_space<vmem>>) semaphore(%arg8 : memref<!tpu.dma_semaphore, #tpu.memory_space<semaphore_mem>>)
    %dma_start3A_38 = arith.constant 3 : i32
    %dma_start3A_39 = arith.constant 384 : i32
    %dma_start3A_40 = arith.constant 0 : i32
    %dma_start3A_41 = tpu.memref_slice %arg6[%dma_start3A_39, %dma_start3A_40] : memref<640x64xf32, #tpu.memory_space<vmem>> -> memref<128x64xf32, #tpu.memory_space<vmem>>
    %dma_start3A_42 = arith.constant 0 : i32
    %dma_start3A_43 = tpu.memref_slice %arg5[%dma_start3A_38, %dma_start3A_42] : memref<130x128xi32, #tpu.memory_space<vmem>> -> memref<1x128xi32, #tpu.memory_space<vmem>>
    %dma_start3A_44 = tpu.memref_squeeze %dma_start3A_43 : memref<1x128xi32, #tpu.memory_space<vmem>> -> memref<128xi32, #tpu.memory_space<vmem>>
    %dma_start3A_45 = arith.constant 0 : i32
    %dma_start3A_46 = arith.constant 0 : i32
    %dma_start3A_47 = tpu.memref_slice %arg3[%dma_start3A_45, %dma_start3A_46] : memref<100008x64xf32, #tpu.memory_space<hbm>> -> memref<100008x64xf32, #tpu.memory_space<hbm>>
    tpu.enqueue_indirect_dma source(%dma_start3A_47 : memref<100008x64xf32, #tpu.memory_space<hbm>>) target(%dma_start3A_41 : memref<128x64xf32, #tpu.memory_space<vmem>>) offsets(%dma_start3A_44 : memref<128xi32, #tpu.memory_space<vmem>>) semaphore(%arg8 : memref<!tpu.dma_semaphore, #tpu.memory_space<semaphore_mem>>)
    %dma_start3A_48 = arith.constant 4 : i32
    %dma_start3A_49 = arith.constant 512 : i32
    %dma_start3A_50 = arith.constant 0 : i32
    %dma_start3A_51 = tpu.memref_slice %arg6[%dma_start3A_49, %dma_start3A_50] : memref<640x64xf32, #tpu.memory_space<vmem>> -> memref<128x64xf32, #tpu.memory_space<vmem>>
    %dma_start3A_52 = arith.constant 0 : i32
    %dma_start3A_53 = tpu.memref_slice %arg5[%dma_start3A_48, %dma_start3A_52] : memref<130x128xi32, #tpu.memory_space<vmem>> -> memref<1x128xi32, #tpu.memory_space<vmem>>
    %dma_start3A_54 = tpu.memref_squeeze %dma_start3A_53 : memref<1x128xi32, #tpu.memory_space<vmem>> -> memref<128xi32, #tpu.memory_space<vmem>>
    %dma_start3A_55 = arith.constant 0 : i32
    %dma_start3A_56 = arith.constant 0 : i32
    %dma_start3A_57 = tpu.memref_slice %arg3[%dma_start3A_55, %dma_start3A_56] : memref<100008x64xf32, #tpu.memory_space<hbm>> -> memref<100008x64xf32, #tpu.memory_space<hbm>>
    tpu.enqueue_indirect_dma source(%dma_start3A_57 : memref<100008x64xf32, #tpu.memory_space<hbm>>) target(%dma_start3A_51 : memref<128x64xf32, #tpu.memory_space<vmem>>) offsets(%dma_start3A_54 : memref<128xi32, #tpu.memory_space<vmem>>) semaphore(%arg8 : memref<!tpu.dma_semaphore, #tpu.memory_space<semaphore_mem>>)
    %dma_start3A_58 = arith.constant 5 : i32
    %dma_start3A_59 = arith.constant 0 : i32
    %dma_start3A_60 = arith.constant 0 : i32
    %dma_start3A_61 = tpu.memref_slice %arg7[%dma_start3A_59, %dma_start3A_60] : memref<640x64xf32, #tpu.memory_space<vmem>> -> memref<128x64xf32, #tpu.memory_space<vmem>>
    %dma_start3A_62 = arith.constant 0 : i32
    %dma_start3A_63 = tpu.memref_slice %arg5[%dma_start3A_58, %dma_start3A_62] : memref<130x128xi32, #tpu.memory_space<vmem>> -> memref<1x128xi32, #tpu.memory_space<vmem>>
    %dma_start3A_64 = tpu.memref_squeeze %dma_start3A_63 : memref<1x128xi32, #tpu.memory_space<vmem>> -> memref<128xi32, #tpu.memory_space<vmem>>
    %dma_start3A_65 = arith.constant 0 : i32
    %dma_start3A_66 = arith.constant 0 : i32
    %dma_start3A_67 = tpu.memref_slice %arg3[%dma_start3A_65, %dma_start3A_66] : memref<100008x64xf32, #tpu.memory_space<hbm>> -> memref<100008x64xf32, #tpu.memory_space<hbm>>
    tpu.enqueue_indirect_dma source(%dma_start3A_67 : memref<100008x64xf32, #tpu.memory_space<hbm>>) target(%dma_start3A_61 : memref<128x64xf32, #tpu.memory_space<vmem>>) offsets(%dma_start3A_64 : memref<128xi32, #tpu.memory_space<vmem>>) semaphore(%arg9 : memref<!tpu.dma_semaphore, #tpu.memory_space<semaphore_mem>>)
    %dma_start3A_68 = arith.constant 6 : i32
    %dma_start3A_69 = arith.constant 128 : i32
    %dma_start3A_70 = arith.constant 0 : i32
    %dma_start3A_71 = tpu.memref_slice %arg7[%dma_start3A_69, %dma_start3A_70] : memref<640x64xf32, #tpu.memory_space<vmem>> -> memref<128x64xf32, #tpu.memory_space<vmem>>
    %dma_start3A_72 = arith.constant 0 : i32
    %dma_start3A_73 = tpu.memref_slice %arg5[%dma_start3A_68, %dma_start3A_72] : memref<130x128xi32, #tpu.memory_space<vmem>> -> memref<1x128xi32, #tpu.memory_space<vmem>>
    %dma_start3A_74 = tpu.memref_squeeze %dma_start3A_73 : memref<1x128xi32, #tpu.memory_space<vmem>> -> memref<128xi32, #tpu.memory_space<vmem>>
    %dma_start3A_75 = arith.constant 0 : i32
    %dma_start3A_76 = arith.constant 0 : i32
    %dma_start3A_77 = tpu.memref_slice %arg3[%dma_start3A_75, %dma_start3A_76] : memref<100008x64xf32, #tpu.memory_space<hbm>> -> memref<100008x64xf32, #tpu.memory_space<hbm>>
    tpu.enqueue_indirect_dma source(%dma_start3A_77 : memref<100008x64xf32, #tpu.memory_space<hbm>>) target(%dma_start3A_71 : memref<128x64xf32, #tpu.memory_space<vmem>>) offsets(%dma_start3A_74 : memref<128xi32, #tpu.memory_space<vmem>>) semaphore(%arg9 : memref<!tpu.dma_semaphore, #tpu.memory_space<semaphore_mem>>)
    %dma_start3A_78 = arith.constant 7 : i32
    %dma_start3A_79 = arith.constant 256 : i32
    %dma_start3A_80 = arith.constant 0 : i32
    %dma_start3A_81 = tpu.memref_slice %arg7[%dma_start3A_79, %dma_start3A_80] : memref<640x64xf32, #tpu.memory_space<vmem>> -> memref<128x64xf32, #tpu.memory_space<vmem>>
    %dma_start3A_82 = arith.constant 0 : i32
    %dma_start3A_83 = tpu.memref_slice %arg5[%dma_start3A_78, %dma_start3A_82] : memref<130x128xi32, #tpu.memory_space<vmem>> -> memref<1x128xi32, #tpu.memory_space<vmem>>
    %dma_start3A_84 = tpu.memref_squeeze %dma_start3A_83 : memref<1x128xi32, #tpu.memory_space<vmem>> -> memref<128xi32, #tpu.memory_space<vmem>>
    %dma_start3A_85 = arith.constant 0 : i32
    %dma_start3A_86 = arith.constant 0 : i32
    %dma_start3A_87 = tpu.memref_slice %arg3[%dma_start3A_85, %dma_start3A_86] : memref<100008x64xf32, #tpu.memory_space<hbm>> -> memref<100008x64xf32, #tpu.memory_space<hbm>>
    tpu.enqueue_indirect_dma source(%dma_start3A_87 : memref<100008x64xf32, #tpu.memory_space<hbm>>) target(%dma_start3A_81 : memref<128x64xf32, #tpu.memory_space<vmem>>) offsets(%dma_start3A_84 : memref<128xi32, #tpu.memory_space<vmem>>) semaphore(%arg9 : memref<!tpu.dma_semaphore, #tpu.memory_space<semaphore_mem>>)
    %dma_start3A_88 = arith.constant 8 : i32
    %dma_start3A_89 = arith.constant 384 : i32
    %dma_start3A_90 = arith.constant 0 : i32
    %dma_start3A_91 = tpu.memref_slice %arg7[%dma_start3A_89, %dma_start3A_90] : memref<640x64xf32, #tpu.memory_space<vmem>> -> memref<128x64xf32, #tpu.memory_space<vmem>>
    %dma_start3A_92 = arith.constant 0 : i32
    %dma_start3A_93 = tpu.memref_slice %arg5[%dma_start3A_88, %dma_start3A_92] : memref<130x128xi32, #tpu.memory_space<vmem>> -> memref<1x128xi32, #tpu.memory_space<vmem>>
    %dma_start3A_94 = tpu.memref_squeeze %dma_start3A_93 : memref<1x128xi32, #tpu.memory_space<vmem>> -> memref<128xi32, #tpu.memory_space<vmem>>
    %dma_start3A_95 = arith.constant 0 : i32
    %dma_start3A_96 = arith.constant 0 : i32
    %dma_start3A_97 = tpu.memref_slice %arg3[%dma_start3A_95, %dma_start3A_96] : memref<100008x64xf32, #tpu.memory_space<hbm>> -> memref<100008x64xf32, #tpu.memory_space<hbm>>
    tpu.enqueue_indirect_dma source(%dma_start3A_97 : memref<100008x64xf32, #tpu.memory_space<hbm>>) target(%dma_start3A_91 : memref<128x64xf32, #tpu.memory_space<vmem>>) offsets(%dma_start3A_94 : memref<128xi32, #tpu.memory_space<vmem>>) semaphore(%arg9 : memref<!tpu.dma_semaphore, #tpu.memory_space<semaphore_mem>>)
    %dma_start3A_98 = arith.constant 9 : i32
    %dma_start3A_99 = arith.constant 512 : i32
    %dma_start3A_100 = arith.constant 0 : i32
    %dma_start3A_101 = tpu.memref_slice %arg7[%dma_start3A_99, %dma_start3A_100] : memref<640x64xf32, #tpu.memory_space<vmem>> -> memref<128x64xf32, #tpu.memory_space<vmem>>
    %dma_start3A_102 = arith.constant 0 : i32
    %dma_start3A_103 = tpu.memref_slice %arg5[%dma_start3A_98, %dma_start3A_102] : memref<130x128xi32, #tpu.memory_space<vmem>> -> memref<1x128xi32, #tpu.memory_space<vmem>>
    %dma_start3A_104 = tpu.memref_squeeze %dma_start3A_103 : memref<1x128xi32, #tpu.memory_space<vmem>> -> memref<128xi32, #tpu.memory_space<vmem>>
    %dma_start3A_105 = arith.constant 0 : i32
    %dma_start3A_106 = arith.constant 0 : i32
    %dma_start3A_107 = tpu.memref_slice %arg3[%dma_start3A_105, %dma_start3A_106] : memref<100008x64xf32, #tpu.memory_space<hbm>> -> memref<100008x64xf32, #tpu.memory_space<hbm>>
    tpu.enqueue_indirect_dma source(%dma_start3A_107 : memref<100008x64xf32, #tpu.memory_space<hbm>>) target(%dma_start3A_101 : memref<128x64xf32, #tpu.memory_space<vmem>>) offsets(%dma_start3A_104 : memref<128xi32, #tpu.memory_space<vmem>>) semaphore(%arg9 : memref<!tpu.dma_semaphore, #tpu.memory_space<semaphore_mem>>)
    %scan3A_108 = arith.constant 0 : i32
    %scan3A_109 = arith.constant 0 : i32
    %scan3A_110 = arith.constant 12 : i32
    %scan3A_111 = arith.addi %scan3A_109, %scan3A_110 : i32
    %scan3A_112 = arith.constant 1 : i32
    scf.for %scan3A_245 = %scan3A_109 to %scan3A_111 step %scan3A_112  : i32 {
      %mul3A_246 = arith.constant 2 : i32
      %mul3A_247 = arith.muli %scan3A_245, %mul3A_246 : i32
      %add3A_248 = arith.constant 0 : i32
      %add3A_249 = arith.addi %mul3A_247, %add3A_248 : i32
      %dma_wait3A_250 = arith.constant 0 : i32
      %dma_wait3A_251 = arith.constant 0 : i32
      %dma_wait3A_252 = arith.constant 0 : i32
      %dma_wait3A_253 = tpu.memref_slice %arg6[%dma_wait3A_251, %dma_wait3A_252] : memref<640x64xf32, #tpu.memory_space<vmem>> -> memref<128x64xf32, #tpu.memory_space<vmem>>
      %dma_wait3A_254 = arith.constant 0 : i32
      %dma_wait3A_255 = tpu.memref_slice %arg5[%dma_wait3A_250, %dma_wait3A_254] : memref<130x128xi32, #tpu.memory_space<vmem>> -> memref<1x128xi32, #tpu.memory_space<vmem>>
      %dma_wait3A_256 = tpu.memref_squeeze %dma_wait3A_255 : memref<1x128xi32, #tpu.memory_space<vmem>> -> memref<128xi32, #tpu.memory_space<vmem>>
      %dma_wait3A_257 = arith.constant 0 : i32
      %dma_wait3A_258 = arith.constant 0 : i32
      %dma_wait3A_259 = tpu.memref_slice %arg3[%dma_wait3A_257, %dma_wait3A_258] : memref<100008x64xf32, #tpu.memory_space<hbm>> -> memref<100008x64xf32, #tpu.memory_space<hbm>>
      tpu.wait_indirect_dma semaphore(%arg8 : memref<!tpu.dma_semaphore, #tpu.memory_space<semaphore_mem>>) src(%dma_wait3A_259 : memref<100008x64xf32, #tpu.memory_space<hbm>>) dst(%dma_wait3A_253 : memref<128x64xf32, #tpu.memory_space<vmem>>)
      %dma_wait3A_260 = arith.constant 1 : i32
      %dma_wait3A_261 = arith.constant 0 : i32
      %dma_wait3A_262 = arith.constant 0 : i32
      %dma_wait3A_263 = tpu.memref_slice %arg6[%dma_wait3A_261, %dma_wait3A_262] : memref<640x64xf32, #tpu.memory_space<vmem>> -> memref<128x64xf32, #tpu.memory_space<vmem>>
      %dma_wait3A_264 = arith.constant 0 : i32
      %dma_wait3A_265 = tpu.memref_slice %arg5[%dma_wait3A_260, %dma_wait3A_264] : memref<130x128xi32, #tpu.memory_space<vmem>> -> memref<1x128xi32, #tpu.memory_space<vmem>>
      %dma_wait3A_266 = tpu.memref_squeeze %dma_wait3A_265 : memref<1x128xi32, #tpu.memory_space<vmem>> -> memref<128xi32, #tpu.memory_space<vmem>>
      %dma_wait3A_267 = arith.constant 0 : i32
      %dma_wait3A_268 = arith.constant 0 : i32
      %dma_wait3A_269 = tpu.memref_slice %arg3[%dma_wait3A_267, %dma_wait3A_268] : memref<100008x64xf32, #tpu.memory_space<hbm>> -> memref<100008x64xf32, #tpu.memory_space<hbm>>
      tpu.wait_indirect_dma semaphore(%arg8 : memref<!tpu.dma_semaphore, #tpu.memory_space<semaphore_mem>>) src(%dma_wait3A_269 : memref<100008x64xf32, #tpu.memory_space<hbm>>) dst(%dma_wait3A_263 : memref<128x64xf32, #tpu.memory_space<vmem>>)
      %dma_wait3A_270 = arith.constant 2 : i32
      %dma_wait3A_271 = arith.constant 0 : i32
      %dma_wait3A_272 = arith.constant 0 : i32
      %dma_wait3A_273 = tpu.memref_slice %arg6[%dma_wait3A_271, %dma_wait3A_272] : memref<640x64xf32, #tpu.memory_space<vmem>> -> memref<128x64xf32, #tpu.memory_space<vmem>>
      %dma_wait3A_274 = arith.constant 0 : i32
      %dma_wait3A_275 = tpu.memref_slice %arg5[%dma_wait3A_270, %dma_wait3A_274] : memref<130x128xi32, #tpu.memory_space<vmem>> -> memref<1x128xi32, #tpu.memory_space<vmem>>
      %dma_wait3A_276 = tpu.memref_squeeze %dma_wait3A_275 : memref<1x128xi32, #tpu.memory_space<vmem>> -> memref<128xi32, #tpu.memory_space<vmem>>
      %dma_wait3A_277 = arith.constant 0 : i32
      %dma_wait3A_278 = arith.constant 0 : i32
      %dma_wait3A_279 = tpu.memref_slice %arg3[%dma_wait3A_277, %dma_wait3A_278] : memref<100008x64xf32, #tpu.memory_space<hbm>> -> memref<100008x64xf32, #tpu.memory_space<hbm>>
      tpu.wait_indirect_dma semaphore(%arg8 : memref<!tpu.dma_semaphore, #tpu.memory_space<semaphore_mem>>) src(%dma_wait3A_279 : memref<100008x64xf32, #tpu.memory_space<hbm>>) dst(%dma_wait3A_273 : memref<128x64xf32, #tpu.memory_space<vmem>>)
      %dma_wait3A_280 = arith.constant 3 : i32
      %dma_wait3A_281 = arith.constant 0 : i32
      %dma_wait3A_282 = arith.constant 0 : i32
      %dma_wait3A_283 = tpu.memref_slice %arg6[%dma_wait3A_281, %dma_wait3A_282] : memref<640x64xf32, #tpu.memory_space<vmem>> -> memref<128x64xf32, #tpu.memory_space<vmem>>
      %dma_wait3A_284 = arith.constant 0 : i32
      %dma_wait3A_285 = tpu.memref_slice %arg5[%dma_wait3A_280, %dma_wait3A_284] : memref<130x128xi32, #tpu.memory_space<vmem>> -> memref<1x128xi32, #tpu.memory_space<vmem>>
      %dma_wait3A_286 = tpu.memref_squeeze %dma_wait3A_285 : memref<1x128xi32, #tpu.memory_space<vmem>> -> memref<128xi32, #tpu.memory_space<vmem>>
      %dma_wait3A_287 = arith.constant 0 : i32
      %dma_wait3A_288 = arith.constant 0 : i32
      %dma_wait3A_289 = tpu.memref_slice %arg3[%dma_wait3A_287, %dma_wait3A_288] : memref<100008x64xf32, #tpu.memory_space<hbm>> -> memref<100008x64xf32, #tpu.memory_space<hbm>>
      tpu.wait_indirect_dma semaphore(%arg8 : memref<!tpu.dma_semaphore, #tpu.memory_space<semaphore_mem>>) src(%dma_wait3A_289 : memref<100008x64xf32, #tpu.memory_space<hbm>>) dst(%dma_wait3A_283 : memref<128x64xf32, #tpu.memory_space<vmem>>)
      %dma_wait3A_290 = arith.constant 4 : i32
      %dma_wait3A_291 = arith.constant 0 : i32
      %dma_wait3A_292 = arith.constant 0 : i32
      %dma_wait3A_293 = tpu.memref_slice %arg6[%dma_wait3A_291, %dma_wait3A_292] : memref<640x64xf32, #tpu.memory_space<vmem>> -> memref<128x64xf32, #tpu.memory_space<vmem>>
      %dma_wait3A_294 = arith.constant 0 : i32
      %dma_wait3A_295 = tpu.memref_slice %arg5[%dma_wait3A_290, %dma_wait3A_294] : memref<130x128xi32, #tpu.memory_space<vmem>> -> memref<1x128xi32, #tpu.memory_space<vmem>>
      %dma_wait3A_296 = tpu.memref_squeeze %dma_wait3A_295 : memref<1x128xi32, #tpu.memory_space<vmem>> -> memref<128xi32, #tpu.memory_space<vmem>>
      %dma_wait3A_297 = arith.constant 0 : i32
      %dma_wait3A_298 = arith.constant 0 : i32
      %dma_wait3A_299 = tpu.memref_slice %arg3[%dma_wait3A_297, %dma_wait3A_298] : memref<100008x64xf32, #tpu.memory_space<hbm>> -> memref<100008x64xf32, #tpu.memory_space<hbm>>
      tpu.wait_indirect_dma semaphore(%arg8 : memref<!tpu.dma_semaphore, #tpu.memory_space<semaphore_mem>>) src(%dma_wait3A_299 : memref<100008x64xf32, #tpu.memory_space<hbm>>) dst(%dma_wait3A_293 : memref<128x64xf32, #tpu.memory_space<vmem>>)
      %mul3A_300 = arith.constant 5 : i32
      %mul3A_301 = arith.muli %add3A_249, %mul3A_300 : i32
      %add3A_302 = arith.addi %mul3A_2, %mul3A_301 : i32
      %mul3A_303 = arith.constant 128 : i32
      %mul3A_304 = arith.muli %add3A_302, %mul3A_303 : i32
      %dma_start3A_305 = arith.constant 0 : i32
      %dma_start3A_306 = tpu.memref_slice %arg4[%mul3A_304, %dma_start3A_305] : memref<532480x64xf32, #tpu.memory_space<hbm>> -> memref<640x64xf32, #tpu.memory_space<hbm>>
      %dma_start3A_307 = arith.constant 0 : i32
      %dma_start3A_308 = tpu.memref_slice %arg4[%mul3A_304, %dma_start3A_307] : memref<532480x64xf32, #tpu.memory_space<hbm>> -> memref<640x64xf32, #tpu.memory_space<hbm>>
      tpu.enqueue_dma source(%arg6 : memref<640x64xf32, #tpu.memory_space<vmem>>) target(%dma_start3A_308 : memref<640x64xf32, #tpu.memory_space<hbm>>) target_semaphore(%arg10 : memref<!tpu.dma_semaphore, #tpu.memory_space<semaphore_mem>>)
      %mul3A_309 = arith.constant 5 : i32
      %mul3A_310 = arith.muli %add3A_249, %mul3A_309 : i32
      %add3A_311 = arith.addi %mul3A_2, %mul3A_310 : i32
      %mul3A_312 = arith.constant 128 : i32
      %mul3A_313 = arith.muli %add3A_311, %mul3A_312 : i32
      %dma_wait3A_314 = arith.constant 0 : i32
      %dma_wait3A_315 = tpu.memref_slice %arg4[%mul3A_313, %dma_wait3A_314] : memref<532480x64xf32, #tpu.memory_space<hbm>> -> memref<640x64xf32, #tpu.memory_space<hbm>>
      %dma_wait3A_316 = arith.constant 0 : i32
      %dma_wait3A_317 = tpu.memref_slice %arg4[%mul3A_313, %dma_wait3A_316] : memref<532480x64xf32, #tpu.memory_space<hbm>> -> memref<640x64xf32, #tpu.memory_space<hbm>>
      tpu.wait_dma2 semaphore(%arg10 : memref<!tpu.dma_semaphore, #tpu.memory_space<semaphore_mem>>) src(%arg6 : memref<640x64xf32, #tpu.memory_space<vmem>>) dst(%dma_wait3A_317 : memref<640x64xf32, #tpu.memory_space<hbm>>)
      %add3A_318 = arith.constant 2 : i32
      %add3A_319 = arith.addi %add3A_249, %add3A_318 : i32
      %mul3A_320 = arith.constant 5 : i32
      %mul3A_321 = arith.muli %add3A_319, %mul3A_320 : i32
      %add3A_322 = arith.constant 0 : i32
      %add3A_323 = arith.addi %mul3A_321, %add3A_322 : i32
      %dma_start3A_324 = arith.constant 0 : i32
      %dma_start3A_325 = arith.constant 0 : i32
      %dma_start3A_326 = tpu.memref_slice %arg6[%dma_start3A_324, %dma_start3A_325] : memref<640x64xf32, #tpu.memory_space<vmem>> -> memref<128x64xf32, #tpu.memory_space<vmem>>
      %dma_start3A_327 = arith.constant 0 : i32
      %dma_start3A_328 = tpu.memref_slice %arg5[%add3A_323, %dma_start3A_327] : memref<130x128xi32, #tpu.memory_space<vmem>> -> memref<1x128xi32, #tpu.memory_space<vmem>>
      %dma_start3A_329 = tpu.memref_squeeze %dma_start3A_328 : memref<1x128xi32, #tpu.memory_space<vmem>> -> memref<128xi32, #tpu.memory_space<vmem>>
      %dma_start3A_330 = arith.constant 0 : i32
      %dma_start3A_331 = arith.constant 0 : i32
      %dma_start3A_332 = tpu.memref_slice %arg3[%dma_start3A_330, %dma_start3A_331] : memref<100008x64xf32, #tpu.memory_space<hbm>> -> memref<100008x64xf32, #tpu.memory_space<hbm>>
      tpu.enqueue_indirect_dma source(%dma_start3A_332 : memref<100008x64xf32, #tpu.memory_space<hbm>>) target(%dma_start3A_326 : memref<128x64xf32, #tpu.memory_space<vmem>>) offsets(%dma_start3A_329 : memref<128xi32, #tpu.memory_space<vmem>>) semaphore(%arg8 : memref<!tpu.dma_semaphore, #tpu.memory_space<semaphore_mem>>)
      %mul3A_333 = arith.constant 5 : i32
      %mul3A_334 = arith.muli %add3A_319, %mul3A_333 : i32
      %add3A_335 = arith.constant 1 : i32
      %add3A_336 = arith.addi %mul3A_334, %add3A_335 : i32
      %dma_start3A_337 = arith.constant 128 : i32
      %dma_start3A_338 = arith.constant 0 : i32
      %dma_start3A_339 = tpu.memref_slice %arg6[%dma_start3A_337, %dma_start3A_338] : memref<640x64xf32, #tpu.memory_space<vmem>> -> memref<128x64xf32, #tpu.memory_space<vmem>>
      %dma_start3A_340 = arith.constant 0 : i32
      %dma_start3A_341 = tpu.memref_slice %arg5[%add3A_336, %dma_start3A_340] : memref<130x128xi32, #tpu.memory_space<vmem>> -> memref<1x128xi32, #tpu.memory_space<vmem>>
      %dma_start3A_342 = tpu.memref_squeeze %dma_start3A_341 : memref<1x128xi32, #tpu.memory_space<vmem>> -> memref<128xi32, #tpu.memory_space<vmem>>
      %dma_start3A_343 = arith.constant 0 : i32
      %dma_start3A_344 = arith.constant 0 : i32
      %dma_start3A_345 = tpu.memref_slice %arg3[%dma_start3A_343, %dma_start3A_344] : memref<100008x64xf32, #tpu.memory_space<hbm>> -> memref<100008x64xf32, #tpu.memory_space<hbm>>
      tpu.enqueue_indirect_dma source(%dma_start3A_345 : memref<100008x64xf32, #tpu.memory_space<hbm>>) target(%dma_start3A_339 : memref<128x64xf32, #tpu.memory_space<vmem>>) offsets(%dma_start3A_342 : memref<128xi32, #tpu.memory_space<vmem>>) semaphore(%arg8 : memref<!tpu.dma_semaphore, #tpu.memory_space<semaphore_mem>>)
      %mul3A_346 = arith.constant 5 : i32
      %mul3A_347 = arith.muli %add3A_319, %mul3A_346 : i32
      %add3A_348 = arith.constant 2 : i32
      %add3A_349 = arith.addi %mul3A_347, %add3A_348 : i32
      %dma_start3A_350 = arith.constant 256 : i32
      %dma_start3A_351 = arith.constant 0 : i32
      %dma_start3A_352 = tpu.memref_slice %arg6[%dma_start3A_350, %dma_start3A_351] : memref<640x64xf32, #tpu.memory_space<vmem>> -> memref<128x64xf32, #tpu.memory_space<vmem>>
      %dma_start3A_353 = arith.constant 0 : i32
      %dma_start3A_354 = tpu.memref_slice %arg5[%add3A_349, %dma_start3A_353] : memref<130x128xi32, #tpu.memory_space<vmem>> -> memref<1x128xi32, #tpu.memory_space<vmem>>
      %dma_start3A_355 = tpu.memref_squeeze %dma_start3A_354 : memref<1x128xi32, #tpu.memory_space<vmem>> -> memref<128xi32, #tpu.memory_space<vmem>>
      %dma_start3A_356 = arith.constant 0 : i32
      %dma_start3A_357 = arith.constant 0 : i32
      %dma_start3A_358 = tpu.memref_slice %arg3[%dma_start3A_356, %dma_start3A_357] : memref<100008x64xf32, #tpu.memory_space<hbm>> -> memref<100008x64xf32, #tpu.memory_space<hbm>>
      tpu.enqueue_indirect_dma source(%dma_start3A_358 : memref<100008x64xf32, #tpu.memory_space<hbm>>) target(%dma_start3A_352 : memref<128x64xf32, #tpu.memory_space<vmem>>) offsets(%dma_start3A_355 : memref<128xi32, #tpu.memory_space<vmem>>) semaphore(%arg8 : memref<!tpu.dma_semaphore, #tpu.memory_space<semaphore_mem>>)
      %mul3A_359 = arith.constant 5 : i32
      %mul3A_360 = arith.muli %add3A_319, %mul3A_359 : i32
      %add3A_361 = arith.constant 3 : i32
      %add3A_362 = arith.addi %mul3A_360, %add3A_361 : i32
      %dma_start3A_363 = arith.constant 384 : i32
      %dma_start3A_364 = arith.constant 0 : i32
      %dma_start3A_365 = tpu.memref_slice %arg6[%dma_start3A_363, %dma_start3A_364] : memref<640x64xf32, #tpu.memory_space<vmem>> -> memref<128x64xf32, #tpu.memory_space<vmem>>
      %dma_start3A_366 = arith.constant 0 : i32
      %dma_start3A_367 = tpu.memref_slice %arg5[%add3A_362, %dma_start3A_366] : memref<130x128xi32, #tpu.memory_space<vmem>> -> memref<1x128xi32, #tpu.memory_space<vmem>>
      %dma_start3A_368 = tpu.memref_squeeze %dma_start3A_367 : memref<1x128xi32, #tpu.memory_space<vmem>> -> memref<128xi32, #tpu.memory_space<vmem>>
      %dma_start3A_369 = arith.constant 0 : i32
      %dma_start3A_370 = arith.constant 0 : i32
      %dma_start3A_371 = tpu.memref_slice %arg3[%dma_start3A_369, %dma_start3A_370] : memref<100008x64xf32, #tpu.memory_space<hbm>> -> memref<100008x64xf32, #tpu.memory_space<hbm>>
      tpu.enqueue_indirect_dma source(%dma_start3A_371 : memref<100008x64xf32, #tpu.memory_space<hbm>>) target(%dma_start3A_365 : memref<128x64xf32, #tpu.memory_space<vmem>>) offsets(%dma_start3A_368 : memref<128xi32, #tpu.memory_space<vmem>>) semaphore(%arg8 : memref<!tpu.dma_semaphore, #tpu.memory_space<semaphore_mem>>)
      %mul3A_372 = arith.constant 5 : i32
      %mul3A_373 = arith.muli %add3A_319, %mul3A_372 : i32
      %add3A_374 = arith.constant 4 : i32
      %add3A_375 = arith.addi %mul3A_373, %add3A_374 : i32
      %dma_start3A_376 = arith.constant 512 : i32
      %dma_start3A_377 = arith.constant 0 : i32
      %dma_start3A_378 = tpu.memref_slice %arg6[%dma_start3A_376, %dma_start3A_377] : memref<640x64xf32, #tpu.memory_space<vmem>> -> memref<128x64xf32, #tpu.memory_space<vmem>>
      %dma_start3A_379 = arith.constant 0 : i32
      %dma_start3A_380 = tpu.memref_slice %arg5[%add3A_375, %dma_start3A_379] : memref<130x128xi32, #tpu.memory_space<vmem>> -> memref<1x128xi32, #tpu.memory_space<vmem>>
      %dma_start3A_381 = tpu.memref_squeeze %dma_start3A_380 : memref<1x128xi32, #tpu.memory_space<vmem>> -> memref<128xi32, #tpu.memory_space<vmem>>
      %dma_start3A_382 = arith.constant 0 : i32
      %dma_start3A_383 = arith.constant 0 : i32
      %dma_start3A_384 = tpu.memref_slice %arg3[%dma_start3A_382, %dma_start3A_383] : memref<100008x64xf32, #tpu.memory_space<hbm>> -> memref<100008x64xf32, #tpu.memory_space<hbm>>
      tpu.enqueue_indirect_dma source(%dma_start3A_384 : memref<100008x64xf32, #tpu.memory_space<hbm>>) target(%dma_start3A_378 : memref<128x64xf32, #tpu.memory_space<vmem>>) offsets(%dma_start3A_381 : memref<128xi32, #tpu.memory_space<vmem>>) semaphore(%arg8 : memref<!tpu.dma_semaphore, #tpu.memory_space<semaphore_mem>>)
      %mul3A_385 = arith.constant 2 : i32
      %mul3A_386 = arith.muli %scan3A_245, %mul3A_385 : i32
      %add3A_387 = arith.constant 1 : i32
      %add3A_388 = arith.addi %mul3A_386, %add3A_387 : i32
      %dma_wait3A_389 = arith.constant 0 : i32
      %dma_wait3A_390 = arith.constant 0 : i32
      %dma_wait3A_391 = arith.constant 0 : i32
      %dma_wait3A_392 = tpu.memref_slice %arg7[%dma_wait3A_390, %dma_wait3A_391] : memref<640x64xf32, #tpu.memory_space<vmem>> -> memref<128x64xf32, #tpu.memory_space<vmem>>
      %dma_wait3A_393 = arith.constant 0 : i32
      %dma_wait3A_394 = tpu.memref_slice %arg5[%dma_wait3A_389, %dma_wait3A_393] : memref<130x128xi32, #tpu.memory_space<vmem>> -> memref<1x128xi32, #tpu.memory_space<vmem>>
      %dma_wait3A_395 = tpu.memref_squeeze %dma_wait3A_394 : memref<1x128xi32, #tpu.memory_space<vmem>> -> memref<128xi32, #tpu.memory_space<vmem>>
      %dma_wait3A_396 = arith.constant 0 : i32
      %dma_wait3A_397 = arith.constant 0 : i32
      %dma_wait3A_398 = tpu.memref_slice %arg3[%dma_wait3A_396, %dma_wait3A_397] : memref<100008x64xf32, #tpu.memory_space<hbm>> -> memref<100008x64xf32, #tpu.memory_space<hbm>>
      tpu.wait_indirect_dma semaphore(%arg9 : memref<!tpu.dma_semaphore, #tpu.memory_space<semaphore_mem>>) src(%dma_wait3A_398 : memref<100008x64xf32, #tpu.memory_space<hbm>>) dst(%dma_wait3A_392 : memref<128x64xf32, #tpu.memory_space<vmem>>)
      %dma_wait3A_399 = arith.constant 1 : i32
      %dma_wait3A_400 = arith.constant 0 : i32
      %dma_wait3A_401 = arith.constant 0 : i32
      %dma_wait3A_402 = tpu.memref_slice %arg7[%dma_wait3A_400, %dma_wait3A_401] : memref<640x64xf32, #tpu.memory_space<vmem>> -> memref<128x64xf32, #tpu.memory_space<vmem>>
      %dma_wait3A_403 = arith.constant 0 : i32
      %dma_wait3A_404 = tpu.memref_slice %arg5[%dma_wait3A_399, %dma_wait3A_403] : memref<130x128xi32, #tpu.memory_space<vmem>> -> memref<1x128xi32, #tpu.memory_space<vmem>>
      %dma_wait3A_405 = tpu.memref_squeeze %dma_wait3A_404 : memref<1x128xi32, #tpu.memory_space<vmem>> -> memref<128xi32, #tpu.memory_space<vmem>>
      %dma_wait3A_406 = arith.constant 0 : i32
      %dma_wait3A_407 = arith.constant 0 : i32
      %dma_wait3A_408 = tpu.memref_slice %arg3[%dma_wait3A_406, %dma_wait3A_407] : memref<100008x64xf32, #tpu.memory_space<hbm>> -> memref<100008x64xf32, #tpu.memory_space<hbm>>
      tpu.wait_indirect_dma semaphore(%arg9 : memref<!tpu.dma_semaphore, #tpu.memory_space<semaphore_mem>>) src(%dma_wait3A_408 : memref<100008x64xf32, #tpu.memory_space<hbm>>) dst(%dma_wait3A_402 : memref<128x64xf32, #tpu.memory_space<vmem>>)
      %dma_wait3A_409 = arith.constant 2 : i32
      %dma_wait3A_410 = arith.constant 0 : i32
      %dma_wait3A_411 = arith.constant 0 : i32
      %dma_wait3A_412 = tpu.memref_slice %arg7[%dma_wait3A_410, %dma_wait3A_411] : memref<640x64xf32, #tpu.memory_space<vmem>> -> memref<128x64xf32, #tpu.memory_space<vmem>>
      %dma_wait3A_413 = arith.constant 0 : i32
      %dma_wait3A_414 = tpu.memref_slice %arg5[%dma_wait3A_409, %dma_wait3A_413] : memref<130x128xi32, #tpu.memory_space<vmem>> -> memref<1x128xi32, #tpu.memory_space<vmem>>
      %dma_wait3A_415 = tpu.memref_squeeze %dma_wait3A_414 : memref<1x128xi32, #tpu.memory_space<vmem>> -> memref<128xi32, #tpu.memory_space<vmem>>
      %dma_wait3A_416 = arith.constant 0 : i32
      %dma_wait3A_417 = arith.constant 0 : i32
      %dma_wait3A_418 = tpu.memref_slice %arg3[%dma_wait3A_416, %dma_wait3A_417] : memref<100008x64xf32, #tpu.memory_space<hbm>> -> memref<100008x64xf32, #tpu.memory_space<hbm>>
      tpu.wait_indirect_dma semaphore(%arg9 : memref<!tpu.dma_semaphore, #tpu.memory_space<semaphore_mem>>) src(%dma_wait3A_418 : memref<100008x64xf32, #tpu.memory_space<hbm>>) dst(%dma_wait3A_412 : memref<128x64xf32, #tpu.memory_space<vmem>>)
      %dma_wait3A_419 = arith.constant 3 : i32
      %dma_wait3A_420 = arith.constant 0 : i32
      %dma_wait3A_421 = arith.constant 0 : i32
      %dma_wait3A_422 = tpu.memref_slice %arg7[%dma_wait3A_420, %dma_wait3A_421] : memref<640x64xf32, #tpu.memory_space<vmem>> -> memref<128x64xf32, #tpu.memory_space<vmem>>
      %dma_wait3A_423 = arith.constant 0 : i32
      %dma_wait3A_424 = tpu.memref_slice %arg5[%dma_wait3A_419, %dma_wait3A_423] : memref<130x128xi32, #tpu.memory_space<vmem>> -> memref<1x128xi32, #tpu.memory_space<vmem>>
      %dma_wait3A_425 = tpu.memref_squeeze %dma_wait3A_424 : memref<1x128xi32, #tpu.memory_space<vmem>> -> memref<128xi32, #tpu.memory_space<vmem>>
      %dma_wait3A_426 = arith.constant 0 : i32
      %dma_wait3A_427 = arith.constant 0 : i32
      %dma_wait3A_428 = tpu.memref_slice %arg3[%dma_wait3A_426, %dma_wait3A_427] : memref<100008x64xf32, #tpu.memory_space<hbm>> -> memref<100008x64xf32, #tpu.memory_space<hbm>>
      tpu.wait_indirect_dma semaphore(%arg9 : memref<!tpu.dma_semaphore, #tpu.memory_space<semaphore_mem>>) src(%dma_wait3A_428 : memref<100008x64xf32, #tpu.memory_space<hbm>>) dst(%dma_wait3A_422 : memref<128x64xf32, #tpu.memory_space<vmem>>)
      %dma_wait3A_429 = arith.constant 4 : i32
      %dma_wait3A_430 = arith.constant 0 : i32
      %dma_wait3A_431 = arith.constant 0 : i32
      %dma_wait3A_432 = tpu.memref_slice %arg7[%dma_wait3A_430, %dma_wait3A_431] : memref<640x64xf32, #tpu.memory_space<vmem>> -> memref<128x64xf32, #tpu.memory_space<vmem>>
      %dma_wait3A_433 = arith.constant 0 : i32
      %dma_wait3A_434 = tpu.memref_slice %arg5[%dma_wait3A_429, %dma_wait3A_433] : memref<130x128xi32, #tpu.memory_space<vmem>> -> memref<1x128xi32, #tpu.memory_space<vmem>>
      %dma_wait3A_435 = tpu.memref_squeeze %dma_wait3A_434 : memref<1x128xi32, #tpu.memory_space<vmem>> -> memref<128xi32, #tpu.memory_space<vmem>>
      %dma_wait3A_436 = arith.constant 0 : i32
      %dma_wait3A_437 = arith.constant 0 : i32
      %dma_wait3A_438 = tpu.memref_slice %arg3[%dma_wait3A_436, %dma_wait3A_437] : memref<100008x64xf32, #tpu.memory_space<hbm>> -> memref<100008x64xf32, #tpu.memory_space<hbm>>
      tpu.wait_indirect_dma semaphore(%arg9 : memref<!tpu.dma_semaphore, #tpu.memory_space<semaphore_mem>>) src(%dma_wait3A_438 : memref<100008x64xf32, #tpu.memory_space<hbm>>) dst(%dma_wait3A_432 : memref<128x64xf32, #tpu.memory_space<vmem>>)
      %mul3A_439 = arith.constant 5 : i32
      %mul3A_440 = arith.muli %add3A_388, %mul3A_439 : i32
      %add3A_441 = arith.addi %mul3A_2, %mul3A_440 : i32
      %mul3A_442 = arith.constant 128 : i32
      %mul3A_443 = arith.muli %add3A_441, %mul3A_442 : i32
      %dma_start3A_444 = arith.constant 0 : i32
      %dma_start3A_445 = tpu.memref_slice %arg4[%mul3A_443, %dma_start3A_444] : memref<532480x64xf32, #tpu.memory_space<hbm>> -> memref<640x64xf32, #tpu.memory_space<hbm>>
      %dma_start3A_446 = arith.constant 0 : i32
      %dma_start3A_447 = tpu.memref_slice %arg4[%mul3A_443, %dma_start3A_446] : memref<532480x64xf32, #tpu.memory_space<hbm>> -> memref<640x64xf32, #tpu.memory_space<hbm>>
      tpu.enqueue_dma source(%arg7 : memref<640x64xf32, #tpu.memory_space<vmem>>) target(%dma_start3A_447 : memref<640x64xf32, #tpu.memory_space<hbm>>) target_semaphore(%arg11 : memref<!tpu.dma_semaphore, #tpu.memory_space<semaphore_mem>>)
      %mul3A_448 = arith.constant 5 : i32
      %mul3A_449 = arith.muli %add3A_388, %mul3A_448 : i32
      %add3A_450 = arith.addi %mul3A_2, %mul3A_449 : i32
      %mul3A_451 = arith.constant 128 : i32
      %mul3A_452 = arith.muli %add3A_450, %mul3A_451 : i32
      %dma_wait3A_453 = arith.constant 0 : i32
      %dma_wait3A_454 = tpu.memref_slice %arg4[%mul3A_452, %dma_wait3A_453] : memref<532480x64xf32, #tpu.memory_space<hbm>> -> memref<640x64xf32, #tpu.memory_space<hbm>>
      %dma_wait3A_455 = arith.constant 0 : i32
      %dma_wait3A_456 = tpu.memref_slice %arg4[%mul3A_452, %dma_wait3A_455] : memref<532480x64xf32, #tpu.memory_space<hbm>> -> memref<640x64xf32, #tpu.memory_space<hbm>>
      tpu.wait_dma2 semaphore(%arg11 : memref<!tpu.dma_semaphore, #tpu.memory_space<semaphore_mem>>) src(%arg7 : memref<640x64xf32, #tpu.memory_space<vmem>>) dst(%dma_wait3A_456 : memref<640x64xf32, #tpu.memory_space<hbm>>)
      %add3A_457 = arith.constant 2 : i32
      %add3A_458 = arith.addi %add3A_388, %add3A_457 : i32
      %mul3A_459 = arith.constant 5 : i32
      %mul3A_460 = arith.muli %add3A_458, %mul3A_459 : i32
      %add3A_461 = arith.constant 0 : i32
      %add3A_462 = arith.addi %mul3A_460, %add3A_461 : i32
      %dma_start3A_463 = arith.constant 0 : i32
      %dma_start3A_464 = arith.constant 0 : i32
      %dma_start3A_465 = tpu.memref_slice %arg7[%dma_start3A_463, %dma_start3A_464] : memref<640x64xf32, #tpu.memory_space<vmem>> -> memref<128x64xf32, #tpu.memory_space<vmem>>
      %dma_start3A_466 = arith.constant 0 : i32
      %dma_start3A_467 = tpu.memref_slice %arg5[%add3A_462, %dma_start3A_466] : memref<130x128xi32, #tpu.memory_space<vmem>> -> memref<1x128xi32, #tpu.memory_space<vmem>>
      %dma_start3A_468 = tpu.memref_squeeze %dma_start3A_467 : memref<1x128xi32, #tpu.memory_space<vmem>> -> memref<128xi32, #tpu.memory_space<vmem>>
      %dma_start3A_469 = arith.constant 0 : i32
      %dma_start3A_470 = arith.constant 0 : i32
      %dma_start3A_471 = tpu.memref_slice %arg3[%dma_start3A_469, %dma_start3A_470] : memref<100008x64xf32, #tpu.memory_space<hbm>> -> memref<100008x64xf32, #tpu.memory_space<hbm>>
      tpu.enqueue_indirect_dma source(%dma_start3A_471 : memref<100008x64xf32, #tpu.memory_space<hbm>>) target(%dma_start3A_465 : memref<128x64xf32, #tpu.memory_space<vmem>>) offsets(%dma_start3A_468 : memref<128xi32, #tpu.memory_space<vmem>>) semaphore(%arg9 : memref<!tpu.dma_semaphore, #tpu.memory_space<semaphore_mem>>)
      %mul3A_472 = arith.constant 5 : i32
      %mul3A_473 = arith.muli %add3A_458, %mul3A_472 : i32
      %add3A_474 = arith.constant 1 : i32
      %add3A_475 = arith.addi %mul3A_473, %add3A_474 : i32
      %dma_start3A_476 = arith.constant 128 : i32
      %dma_start3A_477 = arith.constant 0 : i32
      %dma_start3A_478 = tpu.memref_slice %arg7[%dma_start3A_476, %dma_start3A_477] : memref<640x64xf32, #tpu.memory_space<vmem>> -> memref<128x64xf32, #tpu.memory_space<vmem>>
      %dma_start3A_479 = arith.constant 0 : i32
      %dma_start3A_480 = tpu.memref_slice %arg5[%add3A_475, %dma_start3A_479] : memref<130x128xi32, #tpu.memory_space<vmem>> -> memref<1x128xi32, #tpu.memory_space<vmem>>
      %dma_start3A_481 = tpu.memref_squeeze %dma_start3A_480 : memref<1x128xi32, #tpu.memory_space<vmem>> -> memref<128xi32, #tpu.memory_space<vmem>>
      %dma_start3A_482 = arith.constant 0 : i32
      %dma_start3A_483 = arith.constant 0 : i32
      %dma_start3A_484 = tpu.memref_slice %arg3[%dma_start3A_482, %dma_start3A_483] : memref<100008x64xf32, #tpu.memory_space<hbm>> -> memref<100008x64xf32, #tpu.memory_space<hbm>>
      tpu.enqueue_indirect_dma source(%dma_start3A_484 : memref<100008x64xf32, #tpu.memory_space<hbm>>) target(%dma_start3A_478 : memref<128x64xf32, #tpu.memory_space<vmem>>) offsets(%dma_start3A_481 : memref<128xi32, #tpu.memory_space<vmem>>) semaphore(%arg9 : memref<!tpu.dma_semaphore, #tpu.memory_space<semaphore_mem>>)
      %mul3A_485 = arith.constant 5 : i32
      %mul3A_486 = arith.muli %add3A_458, %mul3A_485 : i32
      %add3A_487 = arith.constant 2 : i32
      %add3A_488 = arith.addi %mul3A_486, %add3A_487 : i32
      %dma_start3A_489 = arith.constant 256 : i32
      %dma_start3A_490 = arith.constant 0 : i32
      %dma_start3A_491 = tpu.memref_slice %arg7[%dma_start3A_489, %dma_start3A_490] : memref<640x64xf32, #tpu.memory_space<vmem>> -> memref<128x64xf32, #tpu.memory_space<vmem>>
      %dma_start3A_492 = arith.constant 0 : i32
      %dma_start3A_493 = tpu.memref_slice %arg5[%add3A_488, %dma_start3A_492] : memref<130x128xi32, #tpu.memory_space<vmem>> -> memref<1x128xi32, #tpu.memory_space<vmem>>
      %dma_start3A_494 = tpu.memref_squeeze %dma_start3A_493 : memref<1x128xi32, #tpu.memory_space<vmem>> -> memref<128xi32, #tpu.memory_space<vmem>>
      %dma_start3A_495 = arith.constant 0 : i32
      %dma_start3A_496 = arith.constant 0 : i32
      %dma_start3A_497 = tpu.memref_slice %arg3[%dma_start3A_495, %dma_start3A_496] : memref<100008x64xf32, #tpu.memory_space<hbm>> -> memref<100008x64xf32, #tpu.memory_space<hbm>>
      tpu.enqueue_indirect_dma source(%dma_start3A_497 : memref<100008x64xf32, #tpu.memory_space<hbm>>) target(%dma_start3A_491 : memref<128x64xf32, #tpu.memory_space<vmem>>) offsets(%dma_start3A_494 : memref<128xi32, #tpu.memory_space<vmem>>) semaphore(%arg9 : memref<!tpu.dma_semaphore, #tpu.memory_space<semaphore_mem>>)
      %mul3A_498 = arith.constant 5 : i32
      %mul3A_499 = arith.muli %add3A_458, %mul3A_498 : i32
      %add3A_500 = arith.constant 3 : i32
      %add3A_501 = arith.addi %mul3A_499, %add3A_500 : i32
      %dma_start3A_502 = arith.constant 384 : i32
      %dma_start3A_503 = arith.constant 0 : i32
      %dma_start3A_504 = tpu.memref_slice %arg7[%dma_start3A_502, %dma_start3A_503] : memref<640x64xf32, #tpu.memory_space<vmem>> -> memref<128x64xf32, #tpu.memory_space<vmem>>
      %dma_start3A_505 = arith.constant 0 : i32
      %dma_start3A_506 = tpu.memref_slice %arg5[%add3A_501, %dma_start3A_505] : memref<130x128xi32, #tpu.memory_space<vmem>> -> memref<1x128xi32, #tpu.memory_space<vmem>>
      %dma_start3A_507 = tpu.memref_squeeze %dma_start3A_506 : memref<1x128xi32, #tpu.memory_space<vmem>> -> memref<128xi32, #tpu.memory_space<vmem>>
      %dma_start3A_508 = arith.constant 0 : i32
      %dma_start3A_509 = arith.constant 0 : i32
      %dma_start3A_510 = tpu.memref_slice %arg3[%dma_start3A_508, %dma_start3A_509] : memref<100008x64xf32, #tpu.memory_space<hbm>> -> memref<100008x64xf32, #tpu.memory_space<hbm>>
      tpu.enqueue_indirect_dma source(%dma_start3A_510 : memref<100008x64xf32, #tpu.memory_space<hbm>>) target(%dma_start3A_504 : memref<128x64xf32, #tpu.memory_space<vmem>>) offsets(%dma_start3A_507 : memref<128xi32, #tpu.memory_space<vmem>>) semaphore(%arg9 : memref<!tpu.dma_semaphore, #tpu.memory_space<semaphore_mem>>)
      %mul3A_511 = arith.constant 5 : i32
      %mul3A_512 = arith.muli %add3A_458, %mul3A_511 : i32
      %add3A_513 = arith.constant 4 : i32
      %add3A_514 = arith.addi %mul3A_512, %add3A_513 : i32
      %dma_start3A_515 = arith.constant 512 : i32
      %dma_start3A_516 = arith.constant 0 : i32
      %dma_start3A_517 = tpu.memref_slice %arg7[%dma_start3A_515, %dma_start3A_516] : memref<640x64xf32, #tpu.memory_space<vmem>> -> memref<128x64xf32, #tpu.memory_space<vmem>>
      %dma_start3A_518 = arith.constant 0 : i32
      %dma_start3A_519 = tpu.memref_slice %arg5[%add3A_514, %dma_start3A_518] : memref<130x128xi32, #tpu.memory_space<vmem>> -> memref<1x128xi32, #tpu.memory_space<vmem>>
      %dma_start3A_520 = tpu.memref_squeeze %dma_start3A_519 : memref<1x128xi32, #tpu.memory_space<vmem>> -> memref<128xi32, #tpu.memory_space<vmem>>
      %dma_start3A_521 = arith.constant 0 : i32
      %dma_start3A_522 = arith.constant 0 : i32
      %dma_start3A_523 = tpu.memref_slice %arg3[%dma_start3A_521, %dma_start3A_522] : memref<100008x64xf32, #tpu.memory_space<hbm>> -> memref<100008x64xf32, #tpu.memory_space<hbm>>
      tpu.enqueue_indirect_dma source(%dma_start3A_523 : memref<100008x64xf32, #tpu.memory_space<hbm>>) target(%dma_start3A_517 : memref<128x64xf32, #tpu.memory_space<vmem>>) offsets(%dma_start3A_520 : memref<128xi32, #tpu.memory_space<vmem>>) semaphore(%arg9 : memref<!tpu.dma_semaphore, #tpu.memory_space<semaphore_mem>>)
    }
    %scan3A_113 = arith.constant 12 : i32
    %dma_wait3A = arith.constant 0 : i32
    %dma_wait3A_114 = arith.constant 0 : i32
    %dma_wait3A_115 = arith.constant 0 : i32
    %dma_wait3A_116 = tpu.memref_slice %arg6[%dma_wait3A_114, %dma_wait3A_115] : memref<640x64xf32, #tpu.memory_space<vmem>> -> memref<128x64xf32, #tpu.memory_space<vmem>>
    %dma_wait3A_117 = arith.constant 0 : i32
    %dma_wait3A_118 = tpu.memref_slice %arg5[%dma_wait3A, %dma_wait3A_117] : memref<130x128xi32, #tpu.memory_space<vmem>> -> memref<1x128xi32, #tpu.memory_space<vmem>>
    %dma_wait3A_119 = tpu.memref_squeeze %dma_wait3A_118 : memref<1x128xi32, #tpu.memory_space<vmem>> -> memref<128xi32, #tpu.memory_space<vmem>>
    %dma_wait3A_120 = arith.constant 0 : i32
    %dma_wait3A_121 = arith.constant 0 : i32
    %dma_wait3A_122 = tpu.memref_slice %arg3[%dma_wait3A_120, %dma_wait3A_121] : memref<100008x64xf32, #tpu.memory_space<hbm>> -> memref<100008x64xf32, #tpu.memory_space<hbm>>
    tpu.wait_indirect_dma semaphore(%arg8 : memref<!tpu.dma_semaphore, #tpu.memory_space<semaphore_mem>>) src(%dma_wait3A_122 : memref<100008x64xf32, #tpu.memory_space<hbm>>) dst(%dma_wait3A_116 : memref<128x64xf32, #tpu.memory_space<vmem>>)
    %dma_wait3A_123 = arith.constant 1 : i32
    %dma_wait3A_124 = arith.constant 0 : i32
    %dma_wait3A_125 = arith.constant 0 : i32
    %dma_wait3A_126 = tpu.memref_slice %arg6[%dma_wait3A_124, %dma_wait3A_125] : memref<640x64xf32, #tpu.memory_space<vmem>> -> memref<128x64xf32, #tpu.memory_space<vmem>>
    %dma_wait3A_127 = arith.constant 0 : i32
    %dma_wait3A_128 = tpu.memref_slice %arg5[%dma_wait3A_123, %dma_wait3A_127] : memref<130x128xi32, #tpu.memory_space<vmem>> -> memref<1x128xi32, #tpu.memory_space<vmem>>
    %dma_wait3A_129 = tpu.memref_squeeze %dma_wait3A_128 : memref<1x128xi32, #tpu.memory_space<vmem>> -> memref<128xi32, #tpu.memory_space<vmem>>
    %dma_wait3A_130 = arith.constant 0 : i32
    %dma_wait3A_131 = arith.constant 0 : i32
    %dma_wait3A_132 = tpu.memref_slice %arg3[%dma_wait3A_130, %dma_wait3A_131] : memref<100008x64xf32, #tpu.memory_space<hbm>> -> memref<100008x64xf32, #tpu.memory_space<hbm>>
    tpu.wait_indirect_dma semaphore(%arg8 : memref<!tpu.dma_semaphore, #tpu.memory_space<semaphore_mem>>) src(%dma_wait3A_132 : memref<100008x64xf32, #tpu.memory_space<hbm>>) dst(%dma_wait3A_126 : memref<128x64xf32, #tpu.memory_space<vmem>>)
    %dma_wait3A_133 = arith.constant 2 : i32
    %dma_wait3A_134 = arith.constant 0 : i32
    %dma_wait3A_135 = arith.constant 0 : i32
    %dma_wait3A_136 = tpu.memref_slice %arg6[%dma_wait3A_134, %dma_wait3A_135] : memref<640x64xf32, #tpu.memory_space<vmem>> -> memref<128x64xf32, #tpu.memory_space<vmem>>
    %dma_wait3A_137 = arith.constant 0 : i32
    %dma_wait3A_138 = tpu.memref_slice %arg5[%dma_wait3A_133, %dma_wait3A_137] : memref<130x128xi32, #tpu.memory_space<vmem>> -> memref<1x128xi32, #tpu.memory_space<vmem>>
    %dma_wait3A_139 = tpu.memref_squeeze %dma_wait3A_138 : memref<1x128xi32, #tpu.memory_space<vmem>> -> memref<128xi32, #tpu.memory_space<vmem>>
    %dma_wait3A_140 = arith.constant 0 : i32
    %dma_wait3A_141 = arith.constant 0 : i32
    %dma_wait3A_142 = tpu.memref_slice %arg3[%dma_wait3A_140, %dma_wait3A_141] : memref<100008x64xf32, #tpu.memory_space<hbm>> -> memref<100008x64xf32, #tpu.memory_space<hbm>>
    tpu.wait_indirect_dma semaphore(%arg8 : memref<!tpu.dma_semaphore, #tpu.memory_space<semaphore_mem>>) src(%dma_wait3A_142 : memref<100008x64xf32, #tpu.memory_space<hbm>>) dst(%dma_wait3A_136 : memref<128x64xf32, #tpu.memory_space<vmem>>)
    %dma_wait3A_143 = arith.constant 3 : i32
    %dma_wait3A_144 = arith.constant 0 : i32
    %dma_wait3A_145 = arith.constant 0 : i32
    %dma_wait3A_146 = tpu.memref_slice %arg6[%dma_wait3A_144, %dma_wait3A_145] : memref<640x64xf32, #tpu.memory_space<vmem>> -> memref<128x64xf32, #tpu.memory_space<vmem>>
    %dma_wait3A_147 = arith.constant 0 : i32
    %dma_wait3A_148 = tpu.memref_slice %arg5[%dma_wait3A_143, %dma_wait3A_147] : memref<130x128xi32, #tpu.memory_space<vmem>> -> memref<1x128xi32, #tpu.memory_space<vmem>>
    %dma_wait3A_149 = tpu.memref_squeeze %dma_wait3A_148 : memref<1x128xi32, #tpu.memory_space<vmem>> -> memref<128xi32, #tpu.memory_space<vmem>>
    %dma_wait3A_150 = arith.constant 0 : i32
    %dma_wait3A_151 = arith.constant 0 : i32
    %dma_wait3A_152 = tpu.memref_slice %arg3[%dma_wait3A_150, %dma_wait3A_151] : memref<100008x64xf32, #tpu.memory_space<hbm>> -> memref<100008x64xf32, #tpu.memory_space<hbm>>
    tpu.wait_indirect_dma semaphore(%arg8 : memref<!tpu.dma_semaphore, #tpu.memory_space<semaphore_mem>>) src(%dma_wait3A_152 : memref<100008x64xf32, #tpu.memory_space<hbm>>) dst(%dma_wait3A_146 : memref<128x64xf32, #tpu.memory_space<vmem>>)
    %dma_wait3A_153 = arith.constant 4 : i32
    %dma_wait3A_154 = arith.constant 0 : i32
    %dma_wait3A_155 = arith.constant 0 : i32
    %dma_wait3A_156 = tpu.memref_slice %arg6[%dma_wait3A_154, %dma_wait3A_155] : memref<640x64xf32, #tpu.memory_space<vmem>> -> memref<128x64xf32, #tpu.memory_space<vmem>>
    %dma_wait3A_157 = arith.constant 0 : i32
    %dma_wait3A_158 = tpu.memref_slice %arg5[%dma_wait3A_153, %dma_wait3A_157] : memref<130x128xi32, #tpu.memory_space<vmem>> -> memref<1x128xi32, #tpu.memory_space<vmem>>
    %dma_wait3A_159 = tpu.memref_squeeze %dma_wait3A_158 : memref<1x128xi32, #tpu.memory_space<vmem>> -> memref<128xi32, #tpu.memory_space<vmem>>
    %dma_wait3A_160 = arith.constant 0 : i32
    %dma_wait3A_161 = arith.constant 0 : i32
    %dma_wait3A_162 = tpu.memref_slice %arg3[%dma_wait3A_160, %dma_wait3A_161] : memref<100008x64xf32, #tpu.memory_space<hbm>> -> memref<100008x64xf32, #tpu.memory_space<hbm>>
    tpu.wait_indirect_dma semaphore(%arg8 : memref<!tpu.dma_semaphore, #tpu.memory_space<semaphore_mem>>) src(%dma_wait3A_162 : memref<100008x64xf32, #tpu.memory_space<hbm>>) dst(%dma_wait3A_156 : memref<128x64xf32, #tpu.memory_space<vmem>>)
    %add3A_163 = arith.constant 120 : i32
    %add3A_164 = arith.addi %mul3A_2, %add3A_163 : i32
    %mul3A_165 = arith.constant 128 : i32
    %mul3A_166 = arith.muli %add3A_164, %mul3A_165 : i32
    %dma_start3A_167 = arith.constant 0 : i32
    %dma_start3A_168 = tpu.memref_slice %arg4[%mul3A_166, %dma_start3A_167] : memref<532480x64xf32, #tpu.memory_space<hbm>> -> memref<640x64xf32, #tpu.memory_space<hbm>>
    %dma_start3A_169 = arith.constant 0 : i32
    %dma_start3A_170 = tpu.memref_slice %arg4[%mul3A_166, %dma_start3A_169] : memref<532480x64xf32, #tpu.memory_space<hbm>> -> memref<640x64xf32, #tpu.memory_space<hbm>>
    tpu.enqueue_dma source(%arg6 : memref<640x64xf32, #tpu.memory_space<vmem>>) target(%dma_start3A_170 : memref<640x64xf32, #tpu.memory_space<hbm>>) target_semaphore(%arg10 : memref<!tpu.dma_semaphore, #tpu.memory_space<semaphore_mem>>)
    %add3A_171 = arith.constant 120 : i32
    %add3A_172 = arith.addi %mul3A_2, %add3A_171 : i32
    %mul3A_173 = arith.constant 128 : i32
    %mul3A_174 = arith.muli %add3A_172, %mul3A_173 : i32
    %dma_wait3A_175 = arith.constant 0 : i32
    %dma_wait3A_176 = tpu.memref_slice %arg4[%mul3A_174, %dma_wait3A_175] : memref<532480x64xf32, #tpu.memory_space<hbm>> -> memref<640x64xf32, #tpu.memory_space<hbm>>
    %dma_wait3A_177 = arith.constant 0 : i32
    %dma_wait3A_178 = tpu.memref_slice %arg4[%mul3A_174, %dma_wait3A_177] : memref<532480x64xf32, #tpu.memory_space<hbm>> -> memref<640x64xf32, #tpu.memory_space<hbm>>
    tpu.wait_dma2 semaphore(%arg10 : memref<!tpu.dma_semaphore, #tpu.memory_space<semaphore_mem>>) src(%arg6 : memref<640x64xf32, #tpu.memory_space<vmem>>) dst(%dma_wait3A_178 : memref<640x64xf32, #tpu.memory_space<hbm>>)
    %dma_wait3A_179 = arith.constant 0 : i32
    %dma_wait3A_180 = arith.constant 0 : i32
    %dma_wait3A_181 = arith.constant 0 : i32
    %dma_wait3A_182 = tpu.memref_slice %arg7[%dma_wait3A_180, %dma_wait3A_181] : memref<640x64xf32, #tpu.memory_space<vmem>> -> memref<128x64xf32, #tpu.memory_space<vmem>>
    %dma_wait3A_183 = arith.constant 0 : i32
    %dma_wait3A_184 = tpu.memref_slice %arg5[%dma_wait3A_179, %dma_wait3A_183] : memref<130x128xi32, #tpu.memory_space<vmem>> -> memref<1x128xi32, #tpu.memory_space<vmem>>
    %dma_wait3A_185 = tpu.memref_squeeze %dma_wait3A_184 : memref<1x128xi32, #tpu.memory_space<vmem>> -> memref<128xi32, #tpu.memory_space<vmem>>
    %dma_wait3A_186 = arith.constant 0 : i32
    %dma_wait3A_187 = arith.constant 0 : i32
    %dma_wait3A_188 = tpu.memref_slice %arg3[%dma_wait3A_186, %dma_wait3A_187] : memref<100008x64xf32, #tpu.memory_space<hbm>> -> memref<100008x64xf32, #tpu.memory_space<hbm>>
    tpu.wait_indirect_dma semaphore(%arg9 : memref<!tpu.dma_semaphore, #tpu.memory_space<semaphore_mem>>) src(%dma_wait3A_188 : memref<100008x64xf32, #tpu.memory_space<hbm>>) dst(%dma_wait3A_182 : memref<128x64xf32, #tpu.memory_space<vmem>>)
    %dma_wait3A_189 = arith.constant 1 : i32
    %dma_wait3A_190 = arith.constant 0 : i32
    %dma_wait3A_191 = arith.constant 0 : i32
    %dma_wait3A_192 = tpu.memref_slice %arg7[%dma_wait3A_190, %dma_wait3A_191] : memref<640x64xf32, #tpu.memory_space<vmem>> -> memref<128x64xf32, #tpu.memory_space<vmem>>
    %dma_wait3A_193 = arith.constant 0 : i32
    %dma_wait3A_194 = tpu.memref_slice %arg5[%dma_wait3A_189, %dma_wait3A_193] : memref<130x128xi32, #tpu.memory_space<vmem>> -> memref<1x128xi32, #tpu.memory_space<vmem>>
    %dma_wait3A_195 = tpu.memref_squeeze %dma_wait3A_194 : memref<1x128xi32, #tpu.memory_space<vmem>> -> memref<128xi32, #tpu.memory_space<vmem>>
    %dma_wait3A_196 = arith.constant 0 : i32
    %dma_wait3A_197 = arith.constant 0 : i32
    %dma_wait3A_198 = tpu.memref_slice %arg3[%dma_wait3A_196, %dma_wait3A_197] : memref<100008x64xf32, #tpu.memory_space<hbm>> -> memref<100008x64xf32, #tpu.memory_space<hbm>>
    tpu.wait_indirect_dma semaphore(%arg9 : memref<!tpu.dma_semaphore, #tpu.memory_space<semaphore_mem>>) src(%dma_wait3A_198 : memref<100008x64xf32, #tpu.memory_space<hbm>>) dst(%dma_wait3A_192 : memref<128x64xf32, #tpu.memory_space<vmem>>)
    %dma_wait3A_199 = arith.constant 2 : i32
    %dma_wait3A_200 = arith.constant 0 : i32
    %dma_wait3A_201 = arith.constant 0 : i32
    %dma_wait3A_202 = tpu.memref_slice %arg7[%dma_wait3A_200, %dma_wait3A_201] : memref<640x64xf32, #tpu.memory_space<vmem>> -> memref<128x64xf32, #tpu.memory_space<vmem>>
    %dma_wait3A_203 = arith.constant 0 : i32
    %dma_wait3A_204 = tpu.memref_slice %arg5[%dma_wait3A_199, %dma_wait3A_203] : memref<130x128xi32, #tpu.memory_space<vmem>> -> memref<1x128xi32, #tpu.memory_space<vmem>>
    %dma_wait3A_205 = tpu.memref_squeeze %dma_wait3A_204 : memref<1x128xi32, #tpu.memory_space<vmem>> -> memref<128xi32, #tpu.memory_space<vmem>>
    %dma_wait3A_206 = arith.constant 0 : i32
    %dma_wait3A_207 = arith.constant 0 : i32
    %dma_wait3A_208 = tpu.memref_slice %arg3[%dma_wait3A_206, %dma_wait3A_207] : memref<100008x64xf32, #tpu.memory_space<hbm>> -> memref<100008x64xf32, #tpu.memory_space<hbm>>
    tpu.wait_indirect_dma semaphore(%arg9 : memref<!tpu.dma_semaphore, #tpu.memory_space<semaphore_mem>>) src(%dma_wait3A_208 : memref<100008x64xf32, #tpu.memory_space<hbm>>) dst(%dma_wait3A_202 : memref<128x64xf32, #tpu.memory_space<vmem>>)
    %dma_wait3A_209 = arith.constant 3 : i32
    %dma_wait3A_210 = arith.constant 0 : i32
    %dma_wait3A_211 = arith.constant 0 : i32
    %dma_wait3A_212 = tpu.memref_slice %arg7[%dma_wait3A_210, %dma_wait3A_211] : memref<640x64xf32, #tpu.memory_space<vmem>> -> memref<128x64xf32, #tpu.memory_space<vmem>>
    %dma_wait3A_213 = arith.constant 0 : i32
    %dma_wait3A_214 = tpu.memref_slice %arg5[%dma_wait3A_209, %dma_wait3A_213] : memref<130x128xi32, #tpu.memory_space<vmem>> -> memref<1x128xi32, #tpu.memory_space<vmem>>
    %dma_wait3A_215 = tpu.memref_squeeze %dma_wait3A_214 : memref<1x128xi32, #tpu.memory_space<vmem>> -> memref<128xi32, #tpu.memory_space<vmem>>
    %dma_wait3A_216 = arith.constant 0 : i32
    %dma_wait3A_217 = arith.constant 0 : i32
    %dma_wait3A_218 = tpu.memref_slice %arg3[%dma_wait3A_216, %dma_wait3A_217] : memref<100008x64xf32, #tpu.memory_space<hbm>> -> memref<100008x64xf32, #tpu.memory_space<hbm>>
    tpu.wait_indirect_dma semaphore(%arg9 : memref<!tpu.dma_semaphore, #tpu.memory_space<semaphore_mem>>) src(%dma_wait3A_218 : memref<100008x64xf32, #tpu.memory_space<hbm>>) dst(%dma_wait3A_212 : memref<128x64xf32, #tpu.memory_space<vmem>>)
    %dma_wait3A_219 = arith.constant 4 : i32
    %dma_wait3A_220 = arith.constant 0 : i32
    %dma_wait3A_221 = arith.constant 0 : i32
    %dma_wait3A_222 = tpu.memref_slice %arg7[%dma_wait3A_220, %dma_wait3A_221] : memref<640x64xf32, #tpu.memory_space<vmem>> -> memref<128x64xf32, #tpu.memory_space<vmem>>
    %dma_wait3A_223 = arith.constant 0 : i32
    %dma_wait3A_224 = tpu.memref_slice %arg5[%dma_wait3A_219, %dma_wait3A_223] : memref<130x128xi32, #tpu.memory_space<vmem>> -> memref<1x128xi32, #tpu.memory_space<vmem>>
    %dma_wait3A_225 = tpu.memref_squeeze %dma_wait3A_224 : memref<1x128xi32, #tpu.memory_space<vmem>> -> memref<128xi32, #tpu.memory_space<vmem>>
    %dma_wait3A_226 = arith.constant 0 : i32
    %dma_wait3A_227 = arith.constant 0 : i32
    %dma_wait3A_228 = tpu.memref_slice %arg3[%dma_wait3A_226, %dma_wait3A_227] : memref<100008x64xf32, #tpu.memory_space<hbm>> -> memref<100008x64xf32, #tpu.memory_space<hbm>>
    tpu.wait_indirect_dma semaphore(%arg9 : memref<!tpu.dma_semaphore, #tpu.memory_space<semaphore_mem>>) src(%dma_wait3A_228 : memref<100008x64xf32, #tpu.memory_space<hbm>>) dst(%dma_wait3A_222 : memref<128x64xf32, #tpu.memory_space<vmem>>)
    %add3A_229 = arith.constant 125 : i32
    %add3A_230 = arith.addi %mul3A_2, %add3A_229 : i32
    %mul3A_231 = arith.constant 128 : i32
    %mul3A_232 = arith.muli %add3A_230, %mul3A_231 : i32
    %dma_start3A_233 = arith.constant 0 : i32
    %dma_start3A_234 = tpu.memref_slice %arg4[%mul3A_232, %dma_start3A_233] : memref<532480x64xf32, #tpu.memory_space<hbm>> -> memref<640x64xf32, #tpu.memory_space<hbm>>
    %dma_start3A_235 = arith.constant 0 : i32
    %dma_start3A_236 = tpu.memref_slice %arg4[%mul3A_232, %dma_start3A_235] : memref<532480x64xf32, #tpu.memory_space<hbm>> -> memref<640x64xf32, #tpu.memory_space<hbm>>
    tpu.enqueue_dma source(%arg7 : memref<640x64xf32, #tpu.memory_space<vmem>>) target(%dma_start3A_236 : memref<640x64xf32, #tpu.memory_space<hbm>>) target_semaphore(%arg11 : memref<!tpu.dma_semaphore, #tpu.memory_space<semaphore_mem>>)
    %add3A_237 = arith.constant 125 : i32
    %add3A_238 = arith.addi %mul3A_2, %add3A_237 : i32
    %mul3A_239 = arith.constant 128 : i32
    %mul3A_240 = arith.muli %add3A_238, %mul3A_239 : i32
    %dma_wait3A_241 = arith.constant 0 : i32
    %dma_wait3A_242 = tpu.memref_slice %arg4[%mul3A_240, %dma_wait3A_241] : memref<532480x64xf32, #tpu.memory_space<hbm>> -> memref<640x64xf32, #tpu.memory_space<hbm>>
    %dma_wait3A_243 = arith.constant 0 : i32
    %dma_wait3A_244 = tpu.memref_slice %arg4[%mul3A_240, %dma_wait3A_243] : memref<532480x64xf32, #tpu.memory_space<hbm>> -> memref<640x64xf32, #tpu.memory_space<hbm>>
    tpu.wait_dma2 semaphore(%arg11 : memref<!tpu.dma_semaphore, #tpu.memory_space<semaphore_mem>>) src(%arg7 : memref<640x64xf32, #tpu.memory_space<vmem>>) dst(%dma_wait3A_244 : memref<640x64xf32, #tpu.memory_space<hbm>>)
    return
  }
}

</mosaic_0001>

<sc_bundles>
// kernel: _emb.3.cloned.1.call-start
scs
__scs_entry_jumppad:
0x0: {  	(pc) =	sbr.rel $0x88, $3  }
0x1: {  	(tag) =	ssettag $0x0;
	lr =	simm.s32 $0x1  }
0x2: {  	[smem:$0x3F9F] =	sst lr;
	_ =	strace $0xD0000000  }
0x3: {  	_ = 	snop  }
0x4: {  	_ = 	snop  }
0x5: {  	_ = 	snop  }
0x6: {  	_ = 	snop  }
0x7: {  	_ = 	snop  }
__scs_overlays_trampoline_lowered:
0x8: {  	[smem:$0x3FAE] =	sst s0  }
0x9: {  	[smem:$0x3FAF] =	sst s1  }
0xa: {  	[smem:$0x3FB0] =	sst s2  }
0xb: {  	[smem:$0x3FB1] =	sst s3  }
0xc: {  	[smem:$0x3FB2] =	sst s4  }
0xd: {  	[smem:$0x3FB3] =	sst s5  }
0xe: {  	[smem:$0x3FB4] =	sst s6  }
0xf: {  	[smem:$0x3FB5] =	sst s7  }
0x10: {  	[smem:$0x3FB6] =	sst s8  }
0x11: {  	[smem:$0x3FB7] =	sst s9;
	s0 =	simm.s32 @!p0 $0x0  }
0x12: {  	s1 =	sld [smem:$0x3F9D];
	s0 =	simm.s32 @p0 $0x1  }
0x13: {  	[smem:$0x3FB8] =	sst s0;
	s0 =	simm.s32 @!p1 $0x0  }
0x14: {  	s2 =	sld [smem:$0x3F9C];
	s0 =	simm.s32 @p1 $0x1  }
0x15: {  	[smem:$0x3FB9] =	sst s0;
	s0 =	simm.s32 @!p2 $0x0  }
0x16: {  	s3 =	sld [smem:$0x3FDB];
	s0 =	simm.s32 @p2 $0x1  }
0x17: {  	s4 =	simm.s32 $0x1BF5;
	[smem:$0x3FBB] =	sst s0  }
0x18: {  	s0 =	sld [smem:$0x3F9E];
	_ =	swait.ge [sflag:s4], $0x0  }
0x19: {  	s7 =	sld [smem:$0x3F9F]  }
0x1a: {  	s8 =	sadd.s32 $0xFFFFE003, lr  }
0x1b: {  	s9 =	sadd.s32 $0xFFFFFEF7, lr;
	s5 =	simm.s32 $0xFFFFFFFF;
	p2 =	slt.u32 s8, $0xFFFFF086  }
0x1c: {  	p1 =	slt.u32 s9, $0xF7A;
	s5 =	simm.s32 @!p2 $0x0  }
0x1d: {  	s5 =	simm.s32 @p1 $0x1;
	p0 =	seq.s32 s7, s2  }
0x1e: {  	s7 =	smul.u32 @!p0 $0xF7A, s2;
	p2 =	seq.s32 @!p0 s5, $0x0  }
0x1f: {  	s9 =	smul.u32 $0xF7A, s1;
	s8 =	simm.s32 @!p0 $0x1BF5;
	p2 =	por !p2, p0  }
0x20: {  	[sflag:s8] =	ssyncset.s32 @!p0 $0xFFFFF086;
	s6 =	sadd.s32 @!p0 s3, s7;
	s7 =	simm.s32 @!p0 $0x108  }
0x21: {  	s3 =	sadd.s32 s3, s9;
	s6 =	sadd.s32 @!p0 $0x88, s6;
	s7 =	simm.s32 @p2 $0x1082  }
0x22: {  	[simem:s7], [sflag:s8] =	dma.local @!p0 [hbm:s6], $0xF7A  }
0x23: {  	s9 =	sor.u32 $0xD0000000, s2;
	s6 =	simm.s32 $0x108;
	_ =	swait.ge @!p0 [sflag:s8], $0x0  }
0x24: {  	s3 =	sadd.s32 $0x88, s3;
	s6 =	simm.s32 @!p1 $0x1082;
	[sflag:s4] =	ssyncset.s32 $0xFFFFF086  }
0x25: {  	[simem:s6], [sflag:s4] =	dma.local [hbm:s3], $0xF7A  }
0x26: {  	[smem:$0x3F9F] =	sst s1;
	(tag) =	ssettag s2;
	_ =	strace s9  }
0x27: {  	s1 =	sld [smem:$0x3FAF]  }
0x28: {  	s2 =	sld [smem:$0x3FB0]  }
0x29: {  	s4 =	sld [smem:$0x3FB2]  }
0x2a: {  	p0 =	seq.s32 s5, $0x0;
	s5 =	sld [smem:$0x3FB3]  }
0x2b: {  	s6 =	sld [smem:$0x3FB4]  }
0x2c: {  	s7 =	sld [smem:$0x3FB5]  }
0x2d: {  	s3 =	simm.s32 $0x108;
	s8 =	sld [smem:$0x3FB6]  }
0x2e: {  	s3 =	simm.s32 @!p0 $0x1082;
	s9 =	sld [smem:$0x3FB7]  }
0x2f: {  	lr =	sadd.s32 s0, s3;
	s0 =	sld [smem:$0x3FAE]  }
0x30: {  	s3 =	sld [smem:$0x3FB1]  }
0x31: {  	[smem:$0x3FBA] =	sst s10  }
0x32: {  	s10 =	sld [smem:$0x3FB8];
	_ =	sdelay $0x3  }
0x33: {  	p0 =	seq.s32 s10, $0x1;
	s10 =	sld [smem:$0x3FBA];
	_ =	sdelay $0x3  }
0x34: {  	[smem:$0x3FBA] =	sst s10  }
0x35: {  	s10 =	sld [smem:$0x3FB9];
	_ =	sdelay $0x3  }
0x36: {  	p1 =	seq.s32 s10, $0x1;
	s10 =	sld [smem:$0x3FBA];
	_ =	sdelay $0x3  }
0x37: {  	[smem:$0x3FBA] =	sst s10  }
0x38: {  	s10 =	sld [smem:$0x3FBB]  }
0x39: {  	_ = 	snop;
	(pc) =	sbr.ind lr, $3  }
0x3a: {  	_ = 	snop  }
0x3b: {  	_ = 	snop  }
0x3c: {  	p2 =	seq.s32 s10, $0x1;
	s10 =	sld [smem:$0x3FBA]  }
0x3d: {  	_ =	shalt  }
0x3e: {  	_ =	shalt  }
0x3f: {  	_ =	shalt  }
0x40: {  	_ =	shalt  }
0x41: {  	_ =	shalt  }
0x42: {  	_ =	shalt  }
0x43: {  	_ =	shalt  }
0x44: {  	_ =	shalt  }
0x45: {  	_ =	shalt  }
0x46: {  	_ =	shalt  }
0x47: {  	_ =	shalt  }
0x48: {  	_ =	shalt  }
0x49: {  	_ =	shalt  }
0x4a: {  	_ =	shalt  }
0x4b: {  	_ =	shalt  }
0x4c: {  	_ =	shalt  }
0x4d: {  	_ =	shalt  }
0x4e: {  	_ =	shalt  }
0x4f: {  	_ =	shalt  }
0x50: {  	_ =	shalt  }
0x51: {  	_ =	shalt  }
0x52: {  	_ =	shalt  }
0x53: {  	_ =	shalt  }
0x54: {  	_ =	shalt  }
0x55: {  	_ =	shalt  }
0x56: {  	_ =	shalt  }
0x57: {  	_ =	shalt  }
0x58: {  	_ =	shalt  }
0x59: {  	_ =	shalt  }
0x5a: {  	_ =	shalt  }
0x5b: {  	_ =	shalt  }
0x5c: {  	_ =	shalt  }
0x5d: {  	_ =	shalt  }
0x5e: {  	_ =	shalt  }
0x5f: {  	_ =	shalt  }
0x60: {  	_ =	shalt  }
0x61: {  	_ =	shalt  }
0x62: {  	_ =	shalt  }
0x63: {  	_ =	shalt  }
0x64: {  	_ =	shalt  }
0x65: {  	_ =	shalt  }
0x66: {  	_ =	shalt  }
0x67: {  	_ =	shalt  }
0x68: {  	_ =	shalt  }
0x69: {  	_ =	shalt  }
0x6a: {  	_ =	shalt  }
0x6b: {  	_ =	shalt  }
0x6c: {  	_ =	shalt  }
0x6d: {  	_ =	shalt  }
0x6e: {  	_ =	shalt  }
0x6f: {  	_ =	shalt  }
0x70: {  	_ =	shalt  }
0x71: {  	_ =	shalt  }
0x72: {  	_ =	shalt  }
0x73: {  	_ =	shalt  }
0x74: {  	_ =	shalt  }
0x75: {  	_ =	shalt  }
0x76: {  	_ =	shalt  }
0x77: {  	_ =	shalt  }
0x78: {  	_ =	shalt  }
0x79: {  	_ =	shalt  }
0x7a: {  	_ =	shalt  }
0x7b: {  	_ =	shalt  }
0x7c: {  	_ =	shalt  }
0x7d: {  	_ =	shalt  }
0x7e: {  	_ =	shalt  }
0x7f: {  	_ =	shalt  }
0x80: {  	_ =	shalt  }
0x81: {  	_ =	shalt  }
0x82: {  	_ =	shalt  }
0x83: {  	_ =	shalt  }
0x84: {  	_ =	shalt  }
0x85: {  	_ =	shalt  }
0x86: {  	_ =	shalt  }
0x87: {  	_ =	shalt  }
.Lfunc_end0:
.L_simem_size_0:
called_computation.1_lowered:
.L_overlay_start_0:
0x88: {  	s2 =	sld [smem:$0x3FD9]  }
0x89: {  	s3 =	sld [smem:$0x3FFE];
	_ =	sdelay $0x1  }
0x8a: {  	s1 =	srdreg.scid  }
0x8b: {  	s0 =	sand.u32 $0x1, s1  }
0x8c: {  	s17 =	sshll.u32 s0, $0xA;
	s2 =	sadd.s32 s3, s2  }
0x8d: {  	s2 =	sadd.s32 s2, s17  }
0x8e: {  	[smem:$0x3FC6] =	sst s2  }
0x8f: {  	_ = 	snop  }
0x90: {  	s2 =	sld [smem:$0x3FD0];
	(tm) =	ssettm $0x1  }
0x91: {  	s18 =	sld [smem:$0x3FFB];
	_ =	sdelay $0x3  }
0x92: {  	_ =	strace s18  }
0x93: {  	s3 =	sld [smem:$0x3FFC];
	_ =	sdelay $0x3  }
0x94: {  	_ =	strace s3  }
0x95: {  	s3 =	sld [smem:$0x3FFD];
	_ =	sdelay $0x3  }
0x96: {  	_ =	strace s3  }
0x97: {  	_ =	strace $0x8FFFFFFF  }
0x98: {  	s19 =	sld [smem:$0x3FDB];
	_ =	sdelay $0x1  }
0x99: {  	s4 =	simm.s32 $_scs_section_size  }
0x9a: {  	s5 =	simm.s32 $_size__tile_overlayer_lowered;
	s6 =	simm.s32 $_tile_overlayer_lowered  }
0x9b: {  	s22 =	simm.s32 $0x1BFF;
	s21 =	sshll.u32 s6, $0x1;
	s3 =	sadd.s32 s4, s19  }
0x9c: {  	s7 =	simm.s32 $0x0;
	s20 =	sshll.u32 s5, $0x1;
	s5 =	sadd.s32 s21, s3  }
0x9d: {  	[timem:s7], [sflag:s22] =	dma.local [hbm:s5], s20  }
0x9e: {  	_ =	swait.ge [sflag:s22], s20  }
0x9f: {  	s4 =	ssub.s32 $0x0, s20;
	[sflag:s22] =	ssyncset.done $0x0  }
0xa0: {  	[sflag:s22] =	ssyncadd.s32 s4;
	_ =	sdelay $0x1  }
0xa1: {  	s23 =	simm.s32 $0x1B8B  }
0xa2: {  	_ =	swait.ge [sflag:s23], $0x1  }
0xa3: {  	[sflag:s23] =	ssyncset.done $0x0  }
0xa4: {  	s25 =	simm.s32 $0x1B8E;
	s24 =	sld [smem:$0x3FFE];
	[sflag:s23] =	ssyncadd.s32 $0xFFFFFFFF  }
0xa5: {  	s26 =	simm.s32 $execute0_lowered;
	[smem:$0x3FD2] =	sst s25  }
0xa6: {  	s5 =	sshll.u32 s26, $0x1;
	_ =	strace $0x80000046;
	[dreg:$0x1] =	wrdreg $0xFFFFFFFF  }
0xa7: {  	s28 =	simm.s32 $_size_execute0_lowered;
	s3 =	sadd.s32 s3, s5;
	[dreg:$0x0] =	wrdreg $0x0  }
0xa8: {  	s5 =	sshll.u32 s28, $0x1;
	[dreg:$0x2] =	wrdreg s3  }
0xa9: {  	[dreg:$0x3] =	wrdreg s5  }
0xaa: {  	[dreg:$0x4] =	wrdreg $0xC0  }
0xab: {  	_ =	task [dreg:s7], $0x5FFFF  }
0xac: {  	[dreg:$0x1] =	wrdreg $0xFFFFFFFF  }
0xad: {  	[dreg:$0x0] =	wrdreg $0x60  }
0xae: {  	[dreg:$0x2] =	wrdreg s24  }
0xaf: {  	[dreg:$0x3] =	wrdreg s2  }
0xb0: {  	[dreg:$0x4] =	wrdreg $0x9  }
0xb1: {  	_ =	task.clear_ibuf [dreg:s7], $0x5FFFF;
	_ =	strace $0x90000046  }
0xb2: {  	s29 =	simm.s32 $0x9;
	_ =	strace $0x80000048  }
0xb3: {  	_ =	swait.ge [sflag:s29], $0x1  }
0xb4: {  	[sflag:s29] =	ssyncadd.s32 $0xFFFFFFFF  }
0xb5: {  	_ =	strace $0x90000048  }
0xb6: {  	_ =	sfence  }
0xb7: {  	s30 =	sld [smem:$0x0];
	_ =	sdelay $0x2  }
0xb8: {  	s31 =	sshll.u32 s1, $0xD;
	s1 =	sshrl.u32 s1, $0x2  }
0xb9: {  	s3 =	sand.u32 $0x4000, s31;
	s1 =	sadd.s32 s1, s30  }
0xba: {  	s0 =	sor.u32 s3, s0;
	s1 =	sshll.u32 s1, $0x11  }
0xbb: {  	s0 =	sor.u32 s1, s0  }
0xbc: {  	s0 =	sadd.s32 $0x8F2B, s0  }
0xbd: {  	[sflag:s0] =	ssyncadd.remote.s32 $0x1  }
0xbe: {  	_ =	sfence.sel $0xFFFF  }
0xbf: {  	[dreg:$0x0] =	wrdreg $0xFFFFFFFF;
	(pc) =	sbr.abs _section_cstart, $3  }
0xc0: {  	[dreg:$0x1] =	wrdreg $0xFFFFFFFF  }
0xc1: {  	_ =	task.clear_ibuf [dreg:s7], $0x2FFFF;
	_ =	strace $0x9FFFFFFF  }
0xc2: {  	(tm) =	ssettm $0x7FFFFFFF  }
0xc3: {  	_ =	shalt  }
tec
execute0_lowered:
.L_overlay_start_1:
0x0: {  	(tag) =	ssettag $0x1  }
0x1: {  	s0 =	srdreg.scid  }
0x2: {  	s10 =	stileid.u32;
	s1 =	rddreg [dreg:$0x0]  }
0x3: {  	s8 =	rddreg [dreg:$0x1];
	s11 =	simm.s32 $0x80;
	s12 =	simm.s32 $0x4100  }
0x4: {  	s13 =	simm.s32 $0x6100;
	s15 =	simm.s32 $0x8100;
	s17 =	simm.s32 $0xA100  }
0x5: {  	s19 =	simm.s32 $0xC100;
	s21 =	simm.s32 $0xE100;
	s28 =	simm.s32 $0x14100  }
0x6: {  	s29 =	simm.s32 $0x480;
	s30 =	simm.s32 $0x16100;
	s6 =	smul.u32 $0x104, s10  }
0x7: {  	s0 =	sand.u32 $0x1, s0;
	s2 =	sshll.u32 s10, $0x1;
	s10 =	smul.u32 $0x41000, s10  }
0x8: {  	s31 =	simm.s32 $0x1;
	s14 =	simm.s32 $0x4;
	s9 =	smul.u32 $0x82, s0  }
0x9: {  	s3 =	sor.u32 s0, s2;
	s23 =	ssub.s32 $0x2, s0;
	s0 =	smul.u32 $0x20800, s0  }
0xa: {  	s16 =	simm.s32 $0x0;
	s2 =	simm.s32 $0x0;
	s4 =	smul.u32 $0x820, s3  }
0xb: {  	[smem:$0x7FF] =	sst s2;
	s5 =	smul.u32 $0x104000, s3;
	s3 =	sadd.s32 $0x10C00, s1  }
0xc: {  	s7 =	sshrl.u32 s23, $0x1;
	s26 =	sadd.s32 s10, s8;
	s10 =	simm.s32 $0x5  }
0xd: {  	_ =	strace $0x80000047;
	s9 =	sadd.s32 s9, s6;
	s4 =	sadd.s32 s4, s1  }
0xe: {  	s5 =	sshrl.u32 s5, $0x3;
	s1 =	ssub.s32 s23, s7;
	s9 =	sshll.u32 s9, $0xA  }
0xf: {  	s23 =	simm.s32 $0x10100;
	s4 =	sadd.s32 $0x800, s4;
	s24 =	sadd.s32 s8, s5  }
0x10: {  	s7 =	smax.u32 s1, $0x1;
	s25 =	sadd.s32 s8, s9;
	s9 =	sadd.s32 s0, s26  }
0x11: {  	s1 =	simm.s32 $0x3;
	s0 =	simm.s32 $0x2;
	s5 =	sadd.s32 $0x1E000, s24  }
0x12: {  	s6 =	sadd.s32 $0x1F400, s24;
	s8 =	sadd.s32 $0x1400, s25;
	s25 =	simm.s32 $0x12100  }
.LBB2_1:
0x13: {  	[tilespmem:s2], [sflag:$0x5] =	stream.linear.gather [hbm4b:s4+s2], $0x4100, $0x38;
	[tilespmem:$0x18100] =	vst v63  }
0x14: {  	_ =	swait.ge [sflag:s10], $0x4100  }
0x15: {  	[sflag:s10] =	ssyncset.done $0x0  }
0x16: {  	s18 =	simm.s32 $0x0;
	[sflag:s10] =	ssyncadd.s32 $0xFFFFBF00  }
0x17: {  	v2 =	vld [tilespmem:s18+$0x0]  }
0x18: {  	v5 =	vld [tilespmem:s18+$0x10]  }
0x19: {  	v4 =	vld [tilespmem:s18+$0x20]  }
0x1a: {  	v3 =	vld [tilespmem:s18+$0x30]  }
0x1b: {  	v0 =	vld [tilespmem:s18+$0x40]  }
0x1c: {  	v1 =	vld [tilespmem:s18+$0x50];
	vm0 =	vgt.s32 v2, $0x0  }
0x1d: {  	s20 =	simm.s32 $0x200;
	v6 =	vnsel vm0, $0x186A0, v2;
	vm0 =	vgt.s32 v5, $0x0;
	v2 =	vld [tilespmem:s18+$0x60]  }
.LBB2_2:
0x1e: {  	s22 =	sshra.s32 s20, $0x2;
	p0 =	sne.s32 s20, $0x10200;
	[tilespmem:s18+$0x0] =	vst v6;
	v5 =	vnsel vm0, $0x186A0, v5;
	vm0 =	vgt.s32 v4, $0x0;
	v6 =	vld [tilespmem:s18+$0x70]  }
0x1f: {  	v7 =	vld [tilespmem:s22+$0x0];
	[tilespmem:s18+$0x10] =	vst v5;
	v4 =	vnsel vm0, $0x186A0, v4;
	vm0 =	vgt.s32 v3, $0x0  }
0x20: {  	v5 =	vld [tilespmem:s22+$0x10];
	[tilespmem:s18+$0x20] =	vst v4;
	v3 =	vnsel vm0, $0x186A0, v3;
	vm0 =	vgt.s32 v0, $0x0  }
.Ltmp0:
0x21: {  	v4 =	vld [tilespmem:s22+$0x20];
	[tilespmem:s18+$0x30] =	vst v3;
	v0 =	vnsel vm0, $0x186A0, v0;
	vm0 =	vgt.s32 v1, $0x0;
	(pc) =	sbr.rel @p0 .LBB2_2-.Ltmp0, $4  }
0x22: {  	v3 =	vld [tilespmem:s22+$0x30];
	[tilespmem:s18+$0x40] =	vst v0;
	v1 =	vnsel vm0, $0x186A0, v1;
	vm0 =	vgt.s32 v2, $0x0  }
0x23: {  	v0 =	vld [tilespmem:s22+$0x40];
	[tilespmem:s18+$0x50] =	vst v1;
	v2 =	vnsel vm0, $0x186A0, v2;
	vm0 =	vgt.s32 v6, $0x0  }
0x24: {  	vm1 =	vgt.s32 v7, $0x0;
	v1 =	vld [tilespmem:s22+$0x50];
	[tilespmem:s18+$0x60] =	vst v2;
	v8 =	vnsel vm0, $0x186A0, v6  }
0x25: {  	s20 =	sadd.s32 $0x200, s20;
	v6 =	vnsel vm1, $0x186A0, v7;
	vm0 =	vgt.s32 v5, $0x0;
	v2 =	vld [tilespmem:s22+$0x60];
	[tilespmem:s18+$0x70] =	vst v8;
	s18 =	smov.u32 s22  }
0x26: {  	[tilespmem:s18+$0x0] =	vst v6;
	v5 =	vnsel vm0, $0x186A0, v5;
	vm10 =	vgt.s32 v4, $0x0;
	v60 =	vld [tilespmem:s18+$0x70]  }
0x27: {  	[tilespmem:s18+$0x10] =	vst v5;
	v4 =	vnsel vm10, $0x186A0, v4;
	vm11 =	vgt.s32 v3, $0x0  }
0x28: {  	[tilespmem:s18+$0x20] =	vst v4;
	v3 =	vnsel vm11, $0x186A0, v3;
	vm12 =	vgt.s32 v0, $0x0  }
0x29: {  	[tilespmem:s18+$0x30] =	vst v3;
	v0 =	vnsel vm12, $0x186A0, v0;
	vm13 =	vgt.s32 v1, $0x0  }
0x2a: {  	[tilespmem:s18+$0x40] =	vst v0;
	v61 =	vnsel vm13, $0x186A0, v1;
	vm14 =	vgt.s32 v2, $0x0  }
0x2b: {  	[tilespmem:s18+$0x50] =	vst v61;
	v62 =	vnsel vm14, $0x186A0, v2;
	vm15 =	vgt.s32 v60, $0x0  }
0x2c: {  	[tilespmem:s18+$0x60] =	vst v62;
	v63 =	vnsel vm15, $0x186A0, v60  }
0x2d: {  	s26 =	simm.s32 $0x0;
	[tilespmem:s18+$0x70] =	vst v63  }
0x2e: {  	[tilespmem:s12], [sflag:$0x1] =	stream.indirect.gather [hbm4b:s3+s11], $0x40, s26, s11, $0xb8;
	[tilespmem:$0x18100] =	vst v63  }
0x2f: {  	_ = 	snop  }
0x30: {  	[tilespmem:s13], [sflag:$0x1] =	stream.indirect.gather [hbm4b:s3+s11], $0x40, s11, s11, $0xb8;
	[tilespmem:$0x18100] =	vst v63  }
0x31: {  	s20 =	simm.s32 $0x100  }
0x32: {  	[tilespmem:s15], [sflag:$0x1] =	stream.indirect.gather [hbm4b:s3+s11], $0x40, s20, s11, $0xb8;
	[tilespmem:$0x18100] =	vst v63  }
0x33: {  	s22 =	simm.s32 $0x180  }
0x34: {  	[tilespmem:s17], [sflag:$0x1] =	stream.indirect.gather [hbm4b:s3+s11], $0x40, s22, s11, $0xb8;
	[tilespmem:$0x18100] =	vst v63  }
0x35: {  	s24 =	simm.s32 $0x200  }
0x36: {  	[tilespmem:s19], [sflag:$0x1] =	stream.indirect.gather [hbm4b:s3+s11], $0x40, s24, s11, $0xb8;
	[tilespmem:$0x18100] =	vst v63  }
0x37: {  	s26 =	simm.s32 $0x280  }
0x38: {  	[tilespmem:s21], [sflag:$0x2] =	stream.indirect.gather [hbm4b:s3+s11], $0x40, s26, s11, $0xb8;
	[tilespmem:$0x18100] =	vst v63  }
0x39: {  	s20 =	simm.s32 $0x300  }
0x3a: {  	[tilespmem:s23], [sflag:$0x2] =	stream.indirect.gather [hbm4b:s3+s11], $0x40, s20, s11, $0xb8;
	[tilespmem:$0x18100] =	vst v63  }
0x3b: {  	s22 =	simm.s32 $0x380  }
0x3c: {  	[tilespmem:s25], [sflag:$0x2] =	stream.indirect.gather [hbm4b:s3+s11], $0x40, s22, s11, $0xb8;
	[tilespmem:$0x18100] =	vst v63  }
0x3d: {  	s24 =	simm.s32 $0x400  }
0x3e: {  	[tilespmem:s28], [sflag:$0x2] =	stream.indirect.gather [hbm4b:s3+s11], $0x40, s24, s11, $0xb8;
	[tilespmem:$0x18100] =	vst v63  }
0x3f: {  	_ = 	snop  }
0x40: {  	[tilespmem:s30], [sflag:$0x2] =	stream.indirect.gather [hbm4b:s3+s11], $0x40, s29, s11, $0xb8;
	[tilespmem:$0x18100] =	vst v63  }
0x41: {  	_ =	swait.ge [sflag:s31], $0x2000  }
0x42: {  	[sflag:s31] =	ssyncset.done $0x0  }
0x43: {  	[sflag:s31] =	ssyncadd.s32 $0xFFFFE000  }
0x44: {  	_ =	swait.ge [sflag:s31], $0x2000  }
0x45: {  	[sflag:s31] =	ssyncset.done $0x0  }
0x46: {  	[sflag:s31] =	ssyncadd.s32 $0xFFFFE000  }
0x47: {  	_ =	swait.ge [sflag:s31], $0x2000  }
0x48: {  	[sflag:s31] =	ssyncset.done $0x0  }
0x49: {  	[sflag:s31] =	ssyncadd.s32 $0xFFFFE000  }
0x4a: {  	_ =	swait.ge [sflag:s31], $0x2000  }
0x4b: {  	[sflag:s31] =	ssyncset.done $0x0  }
0x4c: {  	[sflag:s31] =	ssyncadd.s32 $0xFFFFE000  }
0x4d: {  	_ =	swait.ge [sflag:s31], $0x2000  }
0x4e: {  	[sflag:s31] =	ssyncset.done $0x0  }
0x4f: {  	[sflag:s31] =	ssyncadd.s32 $0xFFFFE000  }
0x50: {  	[hbm4b:s9+s2] =	stream.linear.scatter [tilespmem:s12], [sflag:$0x3], $0xA000, $0x38;
	[tilespmem:$0x18100] =	vst v63  }
0x51: {  	_ =	swait.ge [sflag:s1], $0xA000  }
0x52: {  	[sflag:s1] =	ssyncset.done $0x0  }
0x53: {  	s26 =	simm.s32 $0x500;
	[sflag:s1] =	ssyncadd.s32 $0xFFFF6000  }
0x54: {  	[tilespmem:s12], [sflag:$0x1] =	stream.indirect.gather [hbm4b:s3+s11], $0x40, s26, s11, $0xb8;
	[tilespmem:$0x18100] =	vst v63  }
0x55: {  	s20 =	simm.s32 $0x580  }
0x56: {  	[tilespmem:s13], [sflag:$0x1] =	stream.indirect.gather [hbm4b:s3+s11], $0x40, s20, s11, $0xb8;
	[tilespmem:$0x18100] =	vst v63  }
0x57: {  	s22 =	simm.s32 $0x600  }
0x58: {  	[tilespmem:s15], [sflag:$0x1] =	stream.indirect.gather [hbm4b:s3+s11], $0x40, s22, s11, $0xb8;
	[tilespmem:$0x18100] =	vst v63  }
0x59: {  	s24 =	simm.s32 $0x680  }
0x5a: {  	[tilespmem:s17], [sflag:$0x1] =	stream.indirect.gather [hbm4b:s3+s11], $0x40, s24, s11, $0xb8;
	[tilespmem:$0x18100] =	vst v63  }
0x5b: {  	s26 =	simm.s32 $0x700  }
0x5c: {  	[tilespmem:s19], [sflag:$0x1] =	stream.indirect.gather [hbm4b:s3+s11], $0x40, s26, s11, $0xb8;
	[tilespmem:$0x18100] =	vst v63  }
0x5d: {  	_ =	swait.ge [sflag:s0], $0x2000  }
0x5e: {  	[sflag:s0] =	ssyncset.done $0x0  }
0x5f: {  	[sflag:s0] =	ssyncadd.s32 $0xFFFFE000  }
0x60: {  	_ =	swait.ge [sflag:s0], $0x2000  }
0x61: {  	[sflag:s0] =	ssyncset.done $0x0  }
0x62: {  	[sflag:s0] =	ssyncadd.s32 $0xFFFFE000  }
0x63: {  	_ =	swait.ge [sflag:s0], $0x2000  }
0x64: {  	[sflag:s0] =	ssyncset.done $0x0  }
0x65: {  	[sflag:s0] =	ssyncadd.s32 $0xFFFFE000  }
0x66: {  	_ =	swait.ge [sflag:s0], $0x2000  }
0x67: {  	[sflag:s0] =	ssyncset.done $0x0  }
0x68: {  	[sflag:s0] =	ssyncadd.s32 $0xFFFFE000  }
0x69: {  	_ =	swait.ge [sflag:s0], $0x2000  }
0x6a: {  	[sflag:s0] =	ssyncset.done $0x0  }
0x6b: {  	[sflag:s0] =	ssyncadd.s32 $0xFFFFE000  }
0x6c: {  	[hbm4b:s8+s2] =	stream.linear.scatter [tilespmem:s21], [sflag:$0x4], $0xA000, $0x38;
	[tilespmem:$0x18100] =	vst v63  }
0x6d: {  	_ =	swait.ge [sflag:s14], $0xA000  }
0x6e: {  	[sflag:s14] =	ssyncset.done $0x0  }
0x6f: {  	s20 =	simm.s32 $0x780;
	[sflag:s14] =	ssyncadd.s32 $0xFFFF6000  }
0x70: {  	[tilespmem:s21], [sflag:$0x2] =	stream.indirect.gather [hbm4b:s3+s11], $0x40, s20, s11, $0xb8;
	[tilespmem:$0x18100] =	vst v63  }
0x71: {  	s22 =	simm.s32 $0x800  }
0x72: {  	[tilespmem:s23], [sflag:$0x2] =	stream.indirect.gather [hbm4b:s3+s11], $0x40, s22, s11, $0xb8;
	[tilespmem:$0x18100] =	vst v63  }
0x73: {  	s18 =	simm.s32 $0x1400;
	s24 =	simm.s32 $0x880;
	s26 =	simm.s32 $0x900  }
0x74: {  	[tilespmem:s25], [sflag:$0x2] =	stream.indirect.gather [hbm4b:s3+s11], $0x40, s24, s11, $0xb8;
	[tilespmem:$0x18100] =	vst v63  }
0x75: {  	s20 =	sadd.s32 $0x2800, s8;
	s22 =	sadd.s32 $0x2800, s9;
	s24 =	simm.s32 $0x980  }
0x76: {  	[tilespmem:s28], [sflag:$0x2] =	stream.indirect.gather [hbm4b:s3+s11], $0x40, s26, s11, $0xb8;
	[tilespmem:$0x18100] =	vst v63  }
.LBB2_4:
0x77: {  	[tilespmem:s30], [sflag:$0x2] =	stream.indirect.gather [hbm4b:s3+s11], $0x40, s24, s11, $0xb8;
	[tilespmem:$0x18100] =	vst v63  }
0x78: {  	s24 =	smov.u32 s18  }
0x79: {  	p0 =	sne.s32 s18, $0xDC00;
	s18 =	sadd.s32 $0x1400, s18;
	_ =	swait.ge [sflag:s31], $0x2000  }
0x7a: {  	[sflag:s31] =	ssyncset.done $0x0  }
0x7b: {  	[sflag:s31] =	ssyncadd.s32 $0xFFFFE000  }
0x7c: {  	_ =	swait.ge [sflag:s31], $0x2000  }
0x7d: {  	[sflag:s31] =	ssyncset.done $0x0  }
0x7e: {  	[sflag:s31] =	ssyncadd.s32 $0xFFFFE000  }
0x7f: {  	_ =	swait.ge [sflag:s31], $0x2000  }
0x80: {  	[sflag:s31] =	ssyncset.done $0x0  }
0x81: {  	[sflag:s31] =	ssyncadd.s32 $0xFFFFE000  }
0x82: {  	_ =	swait.ge [sflag:s31], $0x2000  }
0x83: {  	[sflag:s31] =	ssyncset.done $0x0  }
0x84: {  	[sflag:s31] =	ssyncadd.s32 $0xFFFFE000  }
0x85: {  	_ =	swait.ge [sflag:s31], $0x2000  }
0x86: {  	[sflag:s31] =	ssyncset.done $0x0  }
0x87: {  	[sflag:s31] =	ssyncadd.s32 $0xFFFFE000  }
0x88: {  	[hbm4b:s22+s2] =	stream.linear.scatter [tilespmem:s12], [sflag:$0x3], $0xA000, $0x38;
	[tilespmem:$0x18100] =	vst v63  }
0x89: {  	_ =	swait.ge [sflag:s1], $0xA000  }
0x8a: {  	s24 =	sshra.s32 s24, $0x2;
	[sflag:s1] =	ssyncset.done $0x0  }
0x8b: {  	s26 =	sadd.s32 $0x500, s24;
	[sflag:s1] =	ssyncadd.s32 $0xFFFF6000  }
0x8c: {  	[tilespmem:s12], [sflag:$0x1] =	stream.indirect.gather [hbm4b:s3+s11], $0x40, s26, s11, $0xb8;
	[tilespmem:$0x18100] =	vst v63  }
0x8d: {  	s26 =	sadd.s32 $0x580, s24  }
0x8e: {  	[tilespmem:s13], [sflag:$0x1] =	stream.indirect.gather [hbm4b:s3+s11], $0x40, s26, s11, $0xb8;
	[tilespmem:$0x18100] =	vst v63  }
0x8f: {  	s26 =	sadd.s32 $0x600, s24  }
0x90: {  	[tilespmem:s15], [sflag:$0x1] =	stream.indirect.gather [hbm4b:s3+s11], $0x40, s26, s11, $0xb8;
	[tilespmem:$0x18100] =	vst v63  }
0x91: {  	s26 =	sadd.s32 $0x680, s24  }
0x92: {  	[tilespmem:s17], [sflag:$0x1] =	stream.indirect.gather [hbm4b:s3+s11], $0x40, s26, s11, $0xb8;
	[tilespmem:$0x18100] =	vst v63  }
0x93: {  	s26 =	sadd.s32 $0x700, s24  }
0x94: {  	[tilespmem:s19], [sflag:$0x1] =	stream.indirect.gather [hbm4b:s3+s11], $0x40, s26, s11, $0xb8;
	[tilespmem:$0x18100] =	vst v63  }
0x95: {  	_ =	swait.ge [sflag:s0], $0x2000  }
0x96: {  	[sflag:s0] =	ssyncset.done $0x0  }
0x97: {  	[sflag:s0] =	ssyncadd.s32 $0xFFFFE000  }
0x98: {  	_ =	swait.ge [sflag:s0], $0x2000  }
0x99: {  	[sflag:s0] =	ssyncset.done $0x0  }
0x9a: {  	[sflag:s0] =	ssyncadd.s32 $0xFFFFE000  }
0x9b: {  	_ =	swait.ge [sflag:s0], $0x2000  }
0x9c: {  	[sflag:s0] =	ssyncset.done $0x0  }
0x9d: {  	[sflag:s0] =	ssyncadd.s32 $0xFFFFE000  }
0x9e: {  	_ =	swait.ge [sflag:s0], $0x2000  }
0x9f: {  	[sflag:s0] =	ssyncset.done $0x0  }
0xa0: {  	[sflag:s0] =	ssyncadd.s32 $0xFFFFE000  }
0xa1: {  	_ =	swait.ge [sflag:s0], $0x2000  }
0xa2: {  	[sflag:s0] =	ssyncset.done $0x0  }
0xa3: {  	[sflag:s0] =	ssyncadd.s32 $0xFFFFE000  }
0xa4: {  	[hbm4b:s20+s2] =	stream.linear.scatter [tilespmem:s21], [sflag:$0x4], $0xA000, $0x38;
	[tilespmem:$0x18100] =	vst v63  }
0xa5: {  	_ =	swait.ge [sflag:s14], $0xA000  }
0xa6: {  	[sflag:s14] =	ssyncset.done $0x0  }
0xa7: {  	s26 =	sadd.s32 $0x780, s24;
	[sflag:s14] =	ssyncadd.s32 $0xFFFF6000  }
0xa8: {  	[tilespmem:s21], [sflag:$0x2] =	stream.indirect.gather [hbm4b:s3+s11], $0x40, s26, s11, $0xb8;
	[tilespmem:$0x18100] =	vst v63  }
0xa9: {  	s26 =	sadd.s32 $0x800, s24  }
0xaa: {  	[tilespmem:s23], [sflag:$0x2] =	stream.indirect.gather [hbm4b:s3+s11], $0x40, s26, s11, $0xb8;
	[tilespmem:$0x18100] =	vst v63  }
.Ltmp1:
0xab: {  	s26 =	sadd.s32 $0x880, s24;
	(pc) =	sbr.rel @p0 .LBB2_4-.Ltmp1, $4  }
0xac: {  	[tilespmem:s25], [sflag:$0x2] =	stream.indirect.gather [hbm4b:s3+s11], $0x40, s26, s11, $0xb8;
	[tilespmem:$0x18100] =	vst v63  }
0xad: {  	s26 =	sadd.s32 $0x900, s24  }
0xae: {  	[tilespmem:s28], [sflag:$0x2] =	stream.indirect.gather [hbm4b:s3+s11], $0x40, s26, s11, $0xb8;
	[tilespmem:$0x18100] =	vst v63  }
0xaf: {  	s22 =	sadd.s32 $0x2800, s22;
	s20 =	sadd.s32 $0x2800, s20;
	s24 =	sadd.s32 $0x980, s24  }
0xb0: {  	[tilespmem:s30], [sflag:$0x2] =	stream.indirect.gather [hbm4b:s3+s11], $0x40, s24, s11, $0xb8;
	[tilespmem:$0x18100] =	vst v63  }
0xb1: {  	_ =	swait.ge [sflag:s31], $0x2000  }
0xb2: {  	[sflag:s31] =	ssyncset.done $0x0  }
0xb3: {  	[sflag:s31] =	ssyncadd.s32 $0xFFFFE000  }
0xb4: {  	_ =	swait.ge [sflag:s31], $0x2000  }
0xb5: {  	[sflag:s31] =	ssyncset.done $0x0  }
0xb6: {  	[sflag:s31] =	ssyncadd.s32 $0xFFFFE000  }
0xb7: {  	_ =	swait.ge [sflag:s31], $0x2000  }
0xb8: {  	[sflag:s31] =	ssyncset.done $0x0  }
0xb9: {  	[sflag:s31] =	ssyncadd.s32 $0xFFFFE000  }
0xba: {  	_ =	swait.ge [sflag:s31], $0x2000  }
0xbb: {  	[sflag:s31] =	ssyncset.done $0x0  }
0xbc: {  	[sflag:s31] =	ssyncadd.s32 $0xFFFFE000  }
0xbd: {  	_ =	swait.ge [sflag:s31], $0x2000  }
0xbe: {  	[sflag:s31] =	ssyncset.done $0x0  }
0xbf: {  	[sflag:s31] =	ssyncadd.s32 $0xFFFFE000  }
0xc0: {  	[hbm4b:s5+s2] =	stream.linear.scatter [tilespmem:s12], [sflag:$0x3], $0xA000, $0x38;
	[tilespmem:$0x18100] =	vst v63  }
0xc1: {  	_ =	swait.ge [sflag:s1], $0xA000  }
0xc2: {  	[sflag:s1] =	ssyncset.done $0x0  }
0xc3: {  	[sflag:s1] =	ssyncadd.s32 $0xFFFF6000  }
0xc4: {  	_ =	swait.ge [sflag:s0], $0x2000  }
0xc5: {  	[sflag:s0] =	ssyncset.done $0x0  }
0xc6: {  	[sflag:s0] =	ssyncadd.s32 $0xFFFFE000  }
0xc7: {  	_ =	swait.ge [sflag:s0], $0x2000  }
0xc8: {  	[sflag:s0] =	ssyncset.done $0x0  }
0xc9: {  	[sflag:s0] =	ssyncadd.s32 $0xFFFFE000  }
0xca: {  	_ =	swait.ge [sflag:s0], $0x2000  }
0xcb: {  	[sflag:s0] =	ssyncset.done $0x0  }
0xcc: {  	[sflag:s0] =	ssyncadd.s32 $0xFFFFE000  }
0xcd: {  	_ =	swait.ge [sflag:s0], $0x2000  }
0xce: {  	[sflag:s0] =	ssyncset.done $0x0  }
0xcf: {  	[sflag:s0] =	ssyncadd.s32 $0xFFFFE000  }
0xd0: {  	s16 =	sadd.s32 $0x1, s16;
	_ =	swait.ge [sflag:s0], $0x2000  }
0xd1: {  	p0 =	sne.s32 s16, s7;
	[sflag:s0] =	ssyncset.done $0x0  }
.Ltmp2:
0xd2: {  	[sflag:s0] =	ssyncadd.s32 $0xFFFFE000;
	(pc) =	sbr.rel @p0 .LBB2_1-.Ltmp2, $4  }
0xd3: {  	[hbm4b:s6+s2] =	stream.linear.scatter [tilespmem:s21], [sflag:$0x4], $0xA000, $0x38;
	[tilespmem:$0x18100] =	vst v63  }
0xd4: {  	_ =	swait.ge [sflag:s14], $0xA000  }
0xd5: {  	[sflag:s14] =	ssyncset.done $0x0  }
0xd6: {  	[sflag:s14] =	ssyncadd.s32 $0xFFFF6000  }
0xd7: {  	_ =	sfence.sel $0x180000  }
0xd8: {  	[bflag:$0x0] =	sbarrier.arrive $0xFFFF  }
0xd9: {  	_ =	strace $0x90000047  }
0xda: {  	s0 =	stileid.u32;
	[bflag:$0x2] =	sbarrier.arrive $0xFFFF  }
0xdb: {  	p0 =	sne.s32 s0, $0x0;
	s0 =	rddreg [dreg:$0x2]  }
0xdc: {  	s0 =	sadd.s32 @!p0 $0x100000, s0  }
0xdd: {  	[sflag:s0] =	ssyncadd.tile.s32 @!p0 $0x1;
	_ =	shalt  }
.Lfunc_end2:
_tile_overlayer_lowered:
.L_overlay_start_2:
0xde: {  	(tag) =	ssettag $0x2  }
0xdf: {  	s0 =	rddreg [dreg:$0x0];
	s2 =	stileid.u32  }
0xe0: {  	s1 =	rddreg [dreg:$0x1];
	p0 =	sne.s32 s2, $0x0  }
0xe1: {  	s3 =	rddreg [dreg:$0x2];
	[bflag:$0x3] =	sbarrier.arrive $0xFFFF;
	s2 =	simm.s32 @!p0 $0x1C05  }
0xe2: {  	[timem:s3], [sflag:s2] =	dma.local @!p0 [hbm:s0], s1  }
0xe3: {  	s0 =	simm.s32 @!p0 $0x5  }
0xe4: {  	_ =	swait.ge @!p0 [sflag:s0], s1  }
0xe5: {  	s1 =	ssub.s32 @!p0 $0x0, s1;
	[sflag:s0] =	ssyncset.done @!p0 $0x0  }
0xe6: {  	[sflag:s0] =	ssyncadd.s32 @!p0 s1  }
0xe7: {  	[bflag:$0x3] =	sbarrier.arrive $0xFFFF  }
0xe8: {  	_ =	shalt  }

// kernel: sparse-core-data-format-call.cloned.1.call-start
scs
called_computation_lowered:
.L_overlay_start_0:
0x0: {  	s2 =	sld [smem:$0x3FD9]  }
0x1: {  	s3 =	sld [smem:$0x3FFE];
	_ =	sdelay $0x1  }
0x2: {  	s1 =	srdreg.scid  }
0x3: {  	s0 =	sand.u32 $0x1, s1  }
0x4: {  	s18 =	sshll.u32 s0, $0xA;
	s2 =	sadd.s32 s3, s2  }
0x5: {  	s2 =	sadd.s32 s2, s18  }
0x6: {  	[smem:$0x3FC6] =	sst s2  }
0x7: {  	_ = 	snop  }
0x8: {  	s2 =	sld [smem:$0x3FD0];
	(tm) =	ssettm $0x1  }
0x9: {  	s19 =	sld [smem:$0x3FFB];
	_ =	sdelay $0x3  }
0xa: {  	_ =	strace s19  }
0xb: {  	s3 =	sld [smem:$0x3FFC];
	_ =	sdelay $0x3  }
0xc: {  	_ =	strace s3  }
0xd: {  	s3 =	sld [smem:$0x3FFD];
	_ =	sdelay $0x3  }
0xe: {  	_ =	strace s3  }
0xf: {  	_ =	strace $0x8FFFFFFF  }
0x10: {  	s20 =	sld [smem:$0x3FDB];
	_ =	sdelay $0x1  }
0x11: {  	s4 =	simm.s32 $_scs_section_size  }
0x12: {  	s5 =	simm.s32 $_size__tile_overlayer_lowered;
	s6 =	simm.s32 $_tile_overlayer_lowered  }
0x13: {  	s23 =	simm.s32 $0x1BFF;
	s22 =	sshll.u32 s6, $0x1;
	s3 =	sadd.s32 s4, s20  }
0x14: {  	s7 =	simm.s32 $0x0;
	s21 =	sshll.u32 s5, $0x1;
	s5 =	sadd.s32 s22, s3  }
0x15: {  	[timem:s7], [sflag:s23] =	dma.local [hbm:s5], s21  }
0x16: {  	_ =	swait.ge [sflag:s23], s21  }
0x17: {  	s4 =	ssub.s32 $0x0, s21;
	[sflag:s23] =	ssyncset.done $0x0  }
0x18: {  	[sflag:s23] =	ssyncadd.s32 s4;
	_ =	sdelay $0x1  }
0x19: {  	s24 =	simm.s32 $0x1B8B  }
0x1a: {  	_ =	swait.ge [sflag:s24], $0x1  }
0x1b: {  	[sflag:s24] =	ssyncset.done $0x0  }
0x1c: {  	s26 =	simm.s32 $0x1B8E;
	s25 =	sld [smem:$0x3FFE];
	[sflag:s24] =	ssyncadd.s32 $0xFFFFFFFF  }
0x1d: {  	s27 =	simm.s32 $execute0_lowered;
	[smem:$0x3FD2] =	sst s26  }
0x1e: {  	s5 =	sshll.u32 s27, $0x1;
	_ =	strace $0x80000049;
	[dreg:$0x1] =	wrdreg $0xFFFFFFFF  }
0x1f: {  	s28 =	simm.s32 $_size_execute0_lowered;
	s3 =	sadd.s32 s3, s5;
	[dreg:$0x0] =	wrdreg $0x0  }
0x20: {  	s5 =	sshll.u32 s28, $0x1;
	[dreg:$0x2] =	wrdreg s3  }
0x21: {  	[dreg:$0x3] =	wrdreg s5  }
0x22: {  	[dreg:$0x4] =	wrdreg $0xC0  }
0x23: {  	_ =	task [dreg:s7], $0x5FFFF  }
0x24: {  	[dreg:$0x1] =	wrdreg $0xFFFFFFFF  }
0x25: {  	[dreg:$0x0] =	wrdreg $0x60  }
0x26: {  	[dreg:$0x2] =	wrdreg s25  }
0x27: {  	[dreg:$0x3] =	wrdreg s2  }
0x28: {  	[dreg:$0x4] =	wrdreg $0x9  }
0x29: {  	_ =	task.clear_ibuf [dreg:s7], $0x5FFFF;
	_ =	strace $0x90000049  }
0x2a: {  	s29 =	simm.s32 $0x9;
	_ =	strace $0x8000004B  }
0x2b: {  	_ =	swait.ge [sflag:s29], $0x1  }
0x2c: {  	[sflag:s29] =	ssyncadd.s32 $0xFFFFFFFF  }
0x2d: {  	_ =	strace $0x9000004B  }
0x2e: {  	_ =	sfence  }
0x2f: {  	s30 =	sld [smem:$0x0];
	_ =	sdelay $0x2  }
0x30: {  	s31 =	sshll.u32 s1, $0xD;
	s1 =	sshrl.u32 s1, $0x2  }
0x31: {  	s3 =	sand.u32 $0x4000, s31;
	s1 =	sadd.s32 s1, s30  }
0x32: {  	s0 =	sor.u32 s3, s0;
	s1 =	sshll.u32 s1, $0x11  }
0x33: {  	s0 =	sor.u32 s1, s0  }
0x34: {  	s0 =	sadd.s32 $0x8F2B, s0  }
0x35: {  	[sflag:s0] =	ssyncadd.remote.s32 $0x1  }
0x36: {  	_ =	sfence.sel $0xFFFF  }
0x37: {  	[dreg:$0x0] =	wrdreg $0xFFFFFFFF;
	(pc) =	sbr.abs _section_cstart, $3  }
0x38: {  	[dreg:$0x1] =	wrdreg $0xFFFFFFFF  }
0x39: {  	_ =	task.clear_ibuf [dreg:s7], $0x2FFFF;
	_ =	strace $0x9FFFFFFF  }
0x3a: {  	(tm) =	ssettm $0x7FFFFFFF  }
0x3b: {  	_ =	shalt  }
tec
execute0_lowered:
.L_overlay_start_1:
0x0: {  	(tag) =	ssettag $0x1  }
0x1: {  	s0 =	srdreg.scid  }
0x2: {  	s1 =	sshll.u32 s0, $0x4  }
0x3: {  	s4 =	rddreg [dreg:$0x0];
	s0 =	stileid.u32;
	s1 =	sand.u32 $0x10, s1  }
0x4: {  	s2 =	rddreg [dreg:$0x1];
	s7 =	simm.s32 $0x1;
	s1 =	sor.u32 s0, s1  }
0x5: {  	s8 =	simm.s32 $0x2;
	s11 =	simm.s32 $0x0;
	s3 =	sshll.u32 s1, $0x7  }
0x6: {  	s10 =	simm.s32 $0x0;
	s4 =	sadd.s32 $0x800, s4;
	s6 =	ssub.s32 $0x82000, s3  }
.Ltmp0:
0x7: {  	s1 =	rddreg [dreg:$0x2];
	s5 =	sand.u32 $0xF80, s6;
	(pc) =	sbr.rel .LBB1_1-.Ltmp0, $4  }
0x8: {  	_ =	strace $0x8000004A;
	s9 =	smov.u32 s3;
	p0 =	sne.s32 s5, $0x0  }
0x9: {  	s6 =	sshrl.u32 s6, $0xC;
	s5 =	simm.s32 $0x1;
	s7 =	simm.s32 @!p0 $0x0  }
0xa: {  	[sflag:s5] =	ssyncpa.u1 $0x0;
	p0 =	por $0x0, $0x0;
	s6 =	sadd.s32 s7, s6  }
0xb: {  	[sflag:s8] =	ssyncpa.u1 $0x0;
	s8 =	simm.s32 $0x410000;
	s7 =	sadd.s32 $0x1, s6  }
.LBB1_4:
0xc: {  	s14 =	sshll.u32 s11, $0x3  }
0xd: {  	s30 =	sand.u32 $0x7F, s11;
	s15 =	sand.u32 $0xFFFFFC00, s14  }
0xe: {  	s11 =	sor.u32 s30, s15  }
0xf: {  	s15 =	smulhi.u32 $0xFC0FC0FD, s11  }
0x10: {  	s14 =	smulhi.u32 $0xFC0FC0FD, s14  }
0x11: {  	s15 =	sshrl.u32 s15, $0x13  }
0x12: {  	s14 =	sshrl.u32 s14, $0x13;
	s15 =	smul.u32 $0x82000, s15  }
0x13: {  	s14 =	sand.u32 $0x3F, s14  }
0x14: {  	s14 =	smul.u32 $0x10400, s14;
	s11 =	ssub.s32 s11, s15  }
0x15: {  	[tilespmem:s13+$0x810 ss:$0x81] =	vst.msk $0xffff, v2;
	s15 =	sand.u32 $0x7, s11  }
0x16: {  	[tilespmem:s13+$0x1020 ss:$0x81] =	vst.msk $0xffff, v0;
	s14 =	sadd.s32 s2, s14;
	s11 =	sshrl.u32 s11, $0x3;
	s15 =	sshll.u32 s15, $0x12  }
0x17: {  	[tilespmem:s13+$0x0 ss:$0x81] =	vst.msk $0xffff, v1;
	s11 =	sadd.s32 s11, s14;
	s31 =	sor.u32 $0x400, s15  }
0x18: {  	[hbm4b:s11+s31] =	stream.strided.scatter [tilespmem:s12], [sflag:$0x2], $0x2000, s8, s31, $0x20;
	[tilespmem:$0x8080] =	vst v63  }
.LBB1_5:
0x19: {  	s13 =	sadd.s32 $0x1000, s9  }
0x1a: {  	p2 =	sgt.s32 s13, $0x81FFF  }
0x1b: {  	s13 =	smov.u32 @p2 s3;
	p2 =	sne.s32 s10, s7  }
.Ltmp1:
0x1c: {  	p1 =	slt.u32 s10, $0x2;
	(pc) =	sbr.rel @!p2 .LBB1_6-.Ltmp1, $4  }
0x1d: {  	s12 =	simm.s32 @!p1 $0x2  }
0x1e: {  	s14 =	sadd.s32 $0x1, s10;
	_ =	swait.ge @!p1 [sflag:s12], $0x2000  }
0x1f: {  	s11 =	smov.u32 s9;
	p0 =	por !p0, !p0;
	[sflag:s12] =	ssyncset.done @!p1 $0x0  }
0x20: {  	s10 =	smov.u32 s14;
	s9 =	smov.u32 s13;
	[sflag:s12] =	ssyncadd.s32 @!p1 $0xFFFFE000  }
.LBB1_1:
0x21: {  	p1 =	sge.u32 s10, s6  }
0x22: {  	s12 =	sand.u32 @!p1 $0x1FFFFFF, s9  }
0x23: {  	s13 =	smulhi.u32 @!p1 $0xFC0FC1, s12;
	_ =	sdelay $0x1  }
0x24: {  	s13 =	sshrl.u32 @!p1 s13, $0xB  }
0x25: {  	s13 =	smul.u32 @!p1 $0x82000, s13;
	_ =	sdelay $0x1  }
0x26: {  	s31 =	sadd.s32 $0xFFFFFFFF, s10;
	s14 =	sxor.u32 @!p1 $0xFFFFFFFF, s10;
	s12 =	ssub.s32 @!p1 s12, s13  }
0x27: {  	s15 =	simm.s32 @!p1 $0x80;
	s14 =	sshll.u32 @!p1 s14, $0xD;
	s12 =	sshll.u32 @!p1 s12, $0x4  }
0x28: {  	s13 =	sand.u32 @!p1 $0x2000, s14;
	s14 =	simm.s32 @!p1 $0x40;
	s12 =	sadd.s32 @!p1 s4, s12  }
0x29: {  	[tilespmem:s13], [sflag:$0x1] =	stream.strided.gather @!p1 [hbm4b:s12+s14], $0x2000, s15, s14, $0x38;
	[tilespmem:$0x8080] =	vst v63  }
0x2a: {  	p1 =	sge.u32 s31, s6  }
.Ltmp2:
0x2b: {  	_ = 	snop;
	(pc) =	sbr.rel @p1 .LBB1_5-.Ltmp2, $1  }
0x2c: {  	_ =	sdelay $0x3  }
0x2d: {  	s12 =	simm.s32 $0x1  }
0x2e: {  	_ =	swait.ge [sflag:s5], $0x2000;
	s12 =	simm.s32 @!p0 $0x0  }
0x2f: {  	[sflag:s5] =	ssyncset.done $0x0;
	s13 =	sshll.u32 s12, $0xD  }
0x30: {  	[sflag:s5] =	ssyncadd.s32 $0xFFFFE000;
	s16 =	sor.u32 $0x20, s13  }
0x31: {  	s12 =	smul.u32 $0x8100, s12;
	v3 =	vld [tilespmem:s16+$0x10]  }
0x32: {  	s30 =	sand.u32 $0x1, s10;
	v2 =	vld [tilespmem:s16+$0xFFFFFFF0]  }
0x33: {  	s13 =	smul.u32 $0x8100, s30;
	s12 =	sshrl.u32 s12, $0x2;
	v0 =	vld [tilespmem:s16+$0x0]  }
0x34: {  	v1 =	vld [tilespmem:s16+$0xFFFFFFE0];
	s14 =	sor.u32 $0x4000, s12  }
0x35: {  	s31 =	sshrl.u32 s13, $0x2;
	s13 =	sadd.s32 $0x0, s14  }
0x36: {  	s15 =	simm.s32 $0x4;
	s16 =	sadd.s32 $0x40, s16;
	s12 =	sor.u32 $0x4000, s31;
	[tilespmem:s13+$0x1830 ss:$0x81] =	vst.msk $0xffff, v3  }
.LBB1_3:
0x37: {  	v3 =	vld [tilespmem:s16+$0x10];
	p1 =	sne.s32 s15, $0x1FC;
	[tilespmem:s13+$0x810 ss:$0x81] =	vst.msk $0xffff, v2;
	s17 =	smov.u32 s15;
	s15 =	sadd.s32 $0x4, s15  }
.Ltmp3:
0x38: {  	v2 =	vld [tilespmem:s16+$0xFFFFFFF0];
	[tilespmem:s13+$0x1020 ss:$0x81] =	vst.msk $0xffff, v0;
	(pc) =	sbr.rel @p1 .LBB1_3-.Ltmp3, $4  }
0x39: {  	v0 =	vld [tilespmem:s16+$0x0];
	[tilespmem:s13+$0x0 ss:$0x81] =	vst.msk $0xffff, v1  }
0x3a: {  	s13 =	sshra.s32 s17, $0x2;
	v1 =	vld [tilespmem:s16+$0xFFFFFFE0]  }
0x3b: {  	s13 =	sadd.s32 s13, s14  }
0x3c: {  	s16 =	sadd.s32 $0x40, s16;
	[tilespmem:s13+$0x1830 ss:$0x81] =	vst.msk $0xffff, v3  }
.Ltmp4:
0x3d: {  	_ = 	snop;
	(pc) =	sbr.rel .LBB1_4-.Ltmp4, $1  }
0x3e: {  	_ =	sdelay $0x3  }
.LBB1_6:
0x3f: {  	_ =	sfence.sel $0x180000  }
0x40: {  	s2 =	simm.s32 $0x1;
	[bflag:$0x0] =	sbarrier.arrive $0xFFFF  }
0x41: {  	s31 =	simm.s32 $0x2;
	[sflag:s2] =	ssyncpa.u1 $0x1  }
0x42: {  	[sflag:s31] =	ssyncpa.u1 $0x1  }
0x43: {  	p0 =	sne.s32 s0, $0x0;
	_ =	strace $0x9000004A  }
0x44: {  	s0 =	sadd.s32 @!p0 $0x100000, s1;
	[bflag:$0x2] =	sbarrier.arrive $0xFFFF  }
0x45: {  	[sflag:s0] =	ssyncadd.tile.s32 @!p0 $0x1;
	_ =	shalt  }
.Lfunc_end1:
_tile_overlayer_lowered:
.L_overlay_start_2:
0x46: {  	(tag) =	ssettag $0x2  }
0x47: {  	s0 =	rddreg [dreg:$0x0];
	s2 =	stileid.u32  }
0x48: {  	s1 =	rddreg [dreg:$0x1];
	p0 =	sne.s32 s2, $0x0  }
0x49: {  	s3 =	rddreg [dreg:$0x2];
	[bflag:$0x3] =	sbarrier.arrive $0xFFFF;
	s2 =	simm.s32 @!p0 $0x1C01  }
0x4a: {  	[timem:s3], [sflag:s2] =	dma.local @!p0 [hbm:s0], s1  }
0x4b: {  	s0 =	simm.s32 @!p0 $0x1  }
0x4c: {  	_ =	swait.ge @!p0 [sflag:s0], s1  }
0x4d: {  	s1 =	ssub.s32 @!p0 $0x0, s1;
	[sflag:s0] =	ssyncset.done @!p0 $0x0  }
0x4e: {  	[sflag:s0] =	ssyncadd.s32 @!p0 s1  }
0x4f: {  	[bflag:$0x3] =	sbarrier.arrive $0xFFFF  }
0x50: {  	_ =	shalt  }

</sc_bundles>
